<compile_context>
chip_gen: v7x
topology: tpu7x:2x2x1
jax: 0.10.2.dev20260603
libtpu: 0.0.44.dev20260713+nightly
codegen_flags: <defaults>
</compile_context>

<pallas_src>
import functools

import jax
import jax.numpy as jnp
from jax import lax
from jax.experimental import pallas as pl
from jax.experimental.pallas import tpu as pltpu
from jax.experimental.pallas import tpu_sc as plsc

D = 128
SEQ = 128
LANES = 16
NUM_WORKERS = 32
NVEC = D // LANES


def _body(in_idx_hbm, ty_idx_hbm, dp_idx_hbm, ein_hbm, ety_hbm, edp_hbm,
          out_hbm, in_idx_v, ty_idx_v, dp_idx_v, rows_v, out_v, sem0, sem1,
          *, ev_per_w):
    nc = 2
    wid = lax.axis_index("s") * nc + lax.axis_index("c")

    pltpu.sync_copy(in_idx_hbm.at[wid], in_idx_v)
    pltpu.sync_copy(ty_idx_hbm.at[wid], ty_idx_v)
    pltpu.sync_copy(dp_idx_hbm.at[wid], dp_idx_v)

    bufs = (rows_v.at[0], rows_v.at[1])
    sems = (sem0, sem1)
    inv = 1.0 / float(SEQ)

    def issue(e, b):
        pltpu.async_copy(ein_hbm.at[in_idx_v.at[e]],
                         bufs[b].at[pl.ds(0, SEQ)], sems[b])
        pltpu.async_copy(ety_hbm.at[ty_idx_v.at[e]],
                         bufs[b].at[pl.ds(SEQ, SEQ)], sems[b])
        pltpu.async_copy(edp_hbm.at[dp_idx_v.at[e]],
                         bufs[b].at[pl.ds(2 * SEQ, SEQ)], sems[b])

    def drain(b):
        pltpu.make_async_copy(ein_hbm.at[pl.ds(0, 3 * SEQ)], bufs[b],
                              sems[b]).wait()

    issue(0, 0)

    @pl.loop(0, ev_per_w, step=2)
    def _events(e0):
        for b in range(2):
            e = e0 + b
            drain(b)

            @pl.when(e + 1 < ev_per_w)
            def _():
                issue(e + 1, 1 - b)

            buf = bufs[b]

            def red(r, acc):
                return tuple(acc[d] + buf[r, pl.ds(d * LANES, LANES)]
                             for d in range(NVEC))

            zeros = tuple(jnp.zeros((LANES,), jnp.float32)
                          for _ in range(NVEC))
            acc = plsc.parallel_loop(0, 3 * SEQ, unroll=4, carry=zeros)(red)
            for d in range(NVEC):
                out_v[e, pl.ds(d * LANES, LANES)] = acc[d] * inv

    pltpu.sync_copy(out_v, out_hbm.at[wid])


@functools.partial(jax.jit, static_argnames=("num_events",))
def _encode(in_idx, ty_idx, dp_idx, ein, ety, edp, num_events):
    ev_per_w = num_events // NUM_WORKERS
    mesh = plsc.VectorSubcoreMesh(core_axis_name="c", subcore_axis_name="s")
    f = pl.kernel(
        functools.partial(_body, ev_per_w=ev_per_w),
        out_type=jax.ShapeDtypeStruct((NUM_WORKERS, ev_per_w, D), jnp.float32),
        mesh=mesh,
        scratch_types=[
            pltpu.VMEM((ev_per_w, SEQ), jnp.int32),
            pltpu.VMEM((ev_per_w, SEQ), jnp.int32),
            pltpu.VMEM((ev_per_w, SEQ), jnp.int32),
            pltpu.VMEM((2, 3 * SEQ, D), jnp.float32),
            pltpu.VMEM((ev_per_w, D), jnp.float32),
            pltpu.SemaphoreType.DMA,
            pltpu.SemaphoreType.DMA,
        ],
    )
    return f(in_idx, ty_idx, dp_idx, ein, ety, edp)


def kernel(input_idx, type_idx, dpe_idx, E_input, E_type, E_dpe):
    b, l, seq = input_idx.shape
    ne = b * l
    ev_per_w = ne // NUM_WORKERS
    shp = (NUM_WORKERS, ev_per_w, seq)
    in_r = input_idx.reshape(shp).astype(jnp.int32)
    ty_r = type_idx.reshape(shp).astype(jnp.int32)
    dp_r = dpe_idx.reshape(shp).astype(jnp.int32)
    out = _encode(in_r, ty_r, dp_r, E_input, E_type, E_dpe, ne)
    return out.reshape(b, l, D)

# --- scband reference (transcript-rebuilt; emitter-appended) ---
"""Pipeline reference for scband-event-encoder-1984274891069 (READ-ONLY COPY).

The authoritative reference and input builder live on the scoring server;
editing this copy changes nothing except your own understanding.
"""

import jax, jax.numpy as jnp
import numpy as np

VOCAB_INPUT = 100000
VOCAB_TYPE = 1000
VOCAB_DPE = 1000
D_MODEL = 128
B, L, SEQ = 32, 50, 128


def setup_inputs(seed: int = 0) -> dict:
    key = jax.random.key(seed)
    k1, k2, k3, k4, k5, k6 = jax.random.split(key, 6)
    input_idx = jax.random.randint(k1, (B, L, SEQ), 0, VOCAB_INPUT, dtype=jnp.int64 if jax.config.jax_enable_x64 else jnp.int32)
    type_idx = jax.random.randint(k2, (B, L, SEQ), 0, VOCAB_TYPE, dtype=jnp.int64 if jax.config.jax_enable_x64 else jnp.int32)
    dpe_idx = jax.random.randint(k3, (B, L, SEQ), 0, VOCAB_DPE, dtype=jnp.int64 if jax.config.jax_enable_x64 else jnp.int32)
    E_input = jax.random.normal(k4, (VOCAB_INPUT, D_MODEL), dtype=jnp.float32) * 0.02
    E_type = jax.random.normal(k5, (VOCAB_TYPE, D_MODEL), dtype=jnp.float32) * 0.02
    E_dpe = jax.random.normal(k6, (VOCAB_DPE, D_MODEL), dtype=jnp.float32) * 0.02
    return {
        "input_idx": input_idx,
        "type_idx": type_idx,
        "dpe_idx": dpe_idx,
        "E_input": E_input,
        "E_type": E_type,
        "E_dpe": E_dpe,
    }


def reference(input_idx, type_idx, dpe_idx, E_input, E_type, E_dpe):
    b, l, seq_len = input_idx.shape
    input_flat = input_idx.reshape(b * l, seq_len)
    type_flat = type_idx.reshape(b * l, seq_len)
    dpe_flat = dpe_idx.reshape(b * l, seq_len)
    # embedding lookups (gather rows)
    e_input = jnp.take(E_input, input_flat, axis=0)  # (B*L, 128, d_model)
    e_type = jnp.take(E_type, type_flat, axis=0)
    e_dpe = jnp.take(E_dpe, dpe_flat, axis=0)
    # fusion_method == 'sum'
    fused = e_input + e_type + e_dpe
    event_emb = fused.mean(axis=1)  # (B*L, d_model)
    event_emb = event_emb.reshape(b, l, -1)
    # dropout p=0.0 (eval) -> identity
    return event_emb

if __name__ == "__main__":
    import jax
    _d = setup_inputs()
    print(jax.jit(kernel)(*tuple(_d.values())))

</pallas_src>

<mosaic_0001>
#map = affine_map<(d0, d1) -> (0, 0, 0)>
#map1 = affine_map<(d0, d1) -> (0, 0)>
module attributes {stable_mosaic.version = 14 : i64} {
  func.func @_body(%arg0: i32, %arg1: i32, %arg2: memref<32x50x128xi32, #tpu.memory_space<hbm>>, %arg3: memref<32x50x128xi32, #tpu.memory_space<hbm>>, %arg4: memref<32x50x128xi32, #tpu.memory_space<hbm>>, %arg5: memref<100000x128xf32, #tpu.memory_space<hbm>>, %arg6: memref<1000x128xf32, #tpu.memory_space<hbm>>, %arg7: memref<1000x128xf32, #tpu.memory_space<hbm>>, %arg8: memref<32x50x128xf32, #tpu.memory_space<hbm>>, %arg9: memref<50x128xi32, #tpu.memory_space<vmem>>, %arg10: memref<50x128xi32, #tpu.memory_space<vmem>>, %arg11: memref<50x128xi32, #tpu.memory_space<vmem>>, %arg12: memref<2x384x128xf32, #tpu.memory_space<vmem>>, %arg13: memref<50x128xf32, #tpu.memory_space<vmem>>, %arg14: memref<!tpu.dma_semaphore, #tpu.memory_space<semaphore_mem>>, %arg15: memref<!tpu.dma_semaphore, #tpu.memory_space<semaphore_mem>>) attributes {dimension_semantics = [#tpu.dimension_semantics<core_parallel>, #tpu.dimension_semantics<subcore_parallel>], iteration_bounds = array<i64: 2, 16>, scalar_prefetch = 0 : i64, scratch_operands = 7 : i64, tpu.core_type = #tpu.core_type<sc_vector_subcore>, window_params = [{transform_indices = #map}, {transform_indices = #map}, {transform_indices = #map}, {transform_indices = #map1}, {transform_indices = #map1}, {transform_indices = #map1}, {transform_indices = #map}]} {
    %mul3A = arith.constant 2 : i32
    %mul3A_0 = arith.muli %arg1, %mul3A : i32
    %add3A = arith.addi %mul3A_0, %arg0 : i32
    "tpu.region"() ({
      %run_scoped3A = tpu.sem_alloc : memref<!tpu.dma_semaphore, #tpu.memory_space<semaphore_mem>>
      %dma_start3A_51 = arith.constant 0 : i32
      %dma_start3A_52 = arith.constant 0 : i32
      %dma_start3A_53 = tpu.memref_slice %arg2[%add3A, %dma_start3A_51, %dma_start3A_52] : memref<32x50x128xi32, #tpu.memory_space<hbm>> -> memref<1x50x128xi32, #tpu.memory_space<hbm>>
      %dma_start3A_54 = tpu.memref_squeeze %dma_start3A_53 : memref<1x50x128xi32, #tpu.memory_space<hbm>> -> memref<50x128xi32, #tpu.memory_space<hbm>>
      %dma_start3A_55 = arith.constant 0 : i32
      %dma_start3A_56 = arith.constant 0 : i32
      %dma_start3A_57 = tpu.memref_slice %arg2[%add3A, %dma_start3A_55, %dma_start3A_56] : memref<32x50x128xi32, #tpu.memory_space<hbm>> -> memref<1x50x128xi32, #tpu.memory_space<hbm>>
      %dma_start3A_58 = tpu.memref_squeeze %dma_start3A_57 : memref<1x50x128xi32, #tpu.memory_space<hbm>> -> memref<50x128xi32, #tpu.memory_space<hbm>>
      tpu.enqueue_dma source(%dma_start3A_58 : memref<50x128xi32, #tpu.memory_space<hbm>>) target(%arg9 : memref<50x128xi32, #tpu.memory_space<vmem>>) target_semaphore(%run_scoped3A : memref<!tpu.dma_semaphore, #tpu.memory_space<semaphore_mem>>)
      %dma_wait3A = arith.constant 0 : i32
      %dma_wait3A_59 = arith.constant 0 : i32
      %dma_wait3A_60 = tpu.memref_slice %arg2[%add3A, %dma_wait3A, %dma_wait3A_59] : memref<32x50x128xi32, #tpu.memory_space<hbm>> -> memref<1x50x128xi32, #tpu.memory_space<hbm>>
      %dma_wait3A_61 = tpu.memref_squeeze %dma_wait3A_60 : memref<1x50x128xi32, #tpu.memory_space<hbm>> -> memref<50x128xi32, #tpu.memory_space<hbm>>
      %dma_wait3A_62 = arith.constant 0 : i32
      %dma_wait3A_63 = arith.constant 0 : i32
      %dma_wait3A_64 = tpu.memref_slice %arg2[%add3A, %dma_wait3A_62, %dma_wait3A_63] : memref<32x50x128xi32, #tpu.memory_space<hbm>> -> memref<1x50x128xi32, #tpu.memory_space<hbm>>
      %dma_wait3A_65 = tpu.memref_squeeze %dma_wait3A_64 : memref<1x50x128xi32, #tpu.memory_space<hbm>> -> memref<50x128xi32, #tpu.memory_space<hbm>>
      tpu.wait_dma2 semaphore(%run_scoped3A : memref<!tpu.dma_semaphore, #tpu.memory_space<semaphore_mem>>) src(%dma_wait3A_65 : memref<50x128xi32, #tpu.memory_space<hbm>>) dst(%arg9 : memref<50x128xi32, #tpu.memory_space<vmem>>)
      tpu.yield
    }) : () -> ()
    "tpu.region"() ({
      %run_scoped3A = tpu.sem_alloc : memref<!tpu.dma_semaphore, #tpu.memory_space<semaphore_mem>>
      %dma_start3A_51 = arith.constant 0 : i32
      %dma_start3A_52 = arith.constant 0 : i32
      %dma_start3A_53 = tpu.memref_slice %arg3[%add3A, %dma_start3A_51, %dma_start3A_52] : memref<32x50x128xi32, #tpu.memory_space<hbm>> -> memref<1x50x128xi32, #tpu.memory_space<hbm>>
      %dma_start3A_54 = tpu.memref_squeeze %dma_start3A_53 : memref<1x50x128xi32, #tpu.memory_space<hbm>> -> memref<50x128xi32, #tpu.memory_space<hbm>>
      %dma_start3A_55 = arith.constant 0 : i32
      %dma_start3A_56 = arith.constant 0 : i32
      %dma_start3A_57 = tpu.memref_slice %arg3[%add3A, %dma_start3A_55, %dma_start3A_56] : memref<32x50x128xi32, #tpu.memory_space<hbm>> -> memref<1x50x128xi32, #tpu.memory_space<hbm>>
      %dma_start3A_58 = tpu.memref_squeeze %dma_start3A_57 : memref<1x50x128xi32, #tpu.memory_space<hbm>> -> memref<50x128xi32, #tpu.memory_space<hbm>>
      tpu.enqueue_dma source(%dma_start3A_58 : memref<50x128xi32, #tpu.memory_space<hbm>>) target(%arg10 : memref<50x128xi32, #tpu.memory_space<vmem>>) target_semaphore(%run_scoped3A : memref<!tpu.dma_semaphore, #tpu.memory_space<semaphore_mem>>)
      %dma_wait3A = arith.constant 0 : i32
      %dma_wait3A_59 = arith.constant 0 : i32
      %dma_wait3A_60 = tpu.memref_slice %arg3[%add3A, %dma_wait3A, %dma_wait3A_59] : memref<32x50x128xi32, #tpu.memory_space<hbm>> -> memref<1x50x128xi32, #tpu.memory_space<hbm>>
      %dma_wait3A_61 = tpu.memref_squeeze %dma_wait3A_60 : memref<1x50x128xi32, #tpu.memory_space<hbm>> -> memref<50x128xi32, #tpu.memory_space<hbm>>
      %dma_wait3A_62 = arith.constant 0 : i32
      %dma_wait3A_63 = arith.constant 0 : i32
      %dma_wait3A_64 = tpu.memref_slice %arg3[%add3A, %dma_wait3A_62, %dma_wait3A_63] : memref<32x50x128xi32, #tpu.memory_space<hbm>> -> memref<1x50x128xi32, #tpu.memory_space<hbm>>
      %dma_wait3A_65 = tpu.memref_squeeze %dma_wait3A_64 : memref<1x50x128xi32, #tpu.memory_space<hbm>> -> memref<50x128xi32, #tpu.memory_space<hbm>>
      tpu.wait_dma2 semaphore(%run_scoped3A : memref<!tpu.dma_semaphore, #tpu.memory_space<semaphore_mem>>) src(%dma_wait3A_65 : memref<50x128xi32, #tpu.memory_space<hbm>>) dst(%arg10 : memref<50x128xi32, #tpu.memory_space<vmem>>)
      tpu.yield
    }) : () -> ()
    "tpu.region"() ({
      %run_scoped3A = tpu.sem_alloc : memref<!tpu.dma_semaphore, #tpu.memory_space<semaphore_mem>>
      %dma_start3A_51 = arith.constant 0 : i32
      %dma_start3A_52 = arith.constant 0 : i32
      %dma_start3A_53 = tpu.memref_slice %arg4[%add3A, %dma_start3A_51, %dma_start3A_52] : memref<32x50x128xi32, #tpu.memory_space<hbm>> -> memref<1x50x128xi32, #tpu.memory_space<hbm>>
      %dma_start3A_54 = tpu.memref_squeeze %dma_start3A_53 : memref<1x50x128xi32, #tpu.memory_space<hbm>> -> memref<50x128xi32, #tpu.memory_space<hbm>>
      %dma_start3A_55 = arith.constant 0 : i32
      %dma_start3A_56 = arith.constant 0 : i32
      %dma_start3A_57 = tpu.memref_slice %arg4[%add3A, %dma_start3A_55, %dma_start3A_56] : memref<32x50x128xi32, #tpu.memory_space<hbm>> -> memref<1x50x128xi32, #tpu.memory_space<hbm>>
      %dma_start3A_58 = tpu.memref_squeeze %dma_start3A_57 : memref<1x50x128xi32, #tpu.memory_space<hbm>> -> memref<50x128xi32, #tpu.memory_space<hbm>>
      tpu.enqueue_dma source(%dma_start3A_58 : memref<50x128xi32, #tpu.memory_space<hbm>>) target(%arg11 : memref<50x128xi32, #tpu.memory_space<vmem>>) target_semaphore(%run_scoped3A : memref<!tpu.dma_semaphore, #tpu.memory_space<semaphore_mem>>)
      %dma_wait3A = arith.constant 0 : i32
      %dma_wait3A_59 = arith.constant 0 : i32
      %dma_wait3A_60 = tpu.memref_slice %arg4[%add3A, %dma_wait3A, %dma_wait3A_59] : memref<32x50x128xi32, #tpu.memory_space<hbm>> -> memref<1x50x128xi32, #tpu.memory_space<hbm>>
      %dma_wait3A_61 = tpu.memref_squeeze %dma_wait3A_60 : memref<1x50x128xi32, #tpu.memory_space<hbm>> -> memref<50x128xi32, #tpu.memory_space<hbm>>
      %dma_wait3A_62 = arith.constant 0 : i32
      %dma_wait3A_63 = arith.constant 0 : i32
      %dma_wait3A_64 = tpu.memref_slice %arg4[%add3A, %dma_wait3A_62, %dma_wait3A_63] : memref<32x50x128xi32, #tpu.memory_space<hbm>> -> memref<1x50x128xi32, #tpu.memory_space<hbm>>
      %dma_wait3A_65 = tpu.memref_squeeze %dma_wait3A_64 : memref<1x50x128xi32, #tpu.memory_space<hbm>> -> memref<50x128xi32, #tpu.memory_space<hbm>>
      tpu.wait_dma2 semaphore(%run_scoped3A : memref<!tpu.dma_semaphore, #tpu.memory_space<semaphore_mem>>) src(%dma_wait3A_65 : memref<50x128xi32, #tpu.memory_space<hbm>>) dst(%arg11 : memref<50x128xi32, #tpu.memory_space<vmem>>)
      tpu.yield
    }) : () -> ()
    %dma_start3A = arith.constant 0 : i32
    %dma_start3A_1 = arith.constant 0 : i32
    %dma_start3A_2 = arith.constant 0 : i32
    %dma_start3A_3 = arith.constant 0 : i32
    %dma_start3A_4 = tpu.memref_slice %arg12[%dma_start3A_1, %dma_start3A_2, %dma_start3A_3] : memref<2x384x128xf32, #tpu.memory_space<vmem>> -> memref<1x384x128xf32, #tpu.memory_space<vmem>>
    %dma_start3A_5 = tpu.memref_squeeze %dma_start3A_4 : memref<1x384x128xf32, #tpu.memory_space<vmem>> -> memref<384x128xf32, #tpu.memory_space<vmem>>
    %dma_start3A_6 = arith.constant 0 : i32
    %dma_start3A_7 = arith.constant 0 : i32
    %dma_start3A_8 = tpu.memref_slice %dma_start3A_5[%dma_start3A_6, %dma_start3A_7] : memref<384x128xf32, #tpu.memory_space<vmem>> -> memref<128x128xf32, #tpu.memory_space<vmem>>
    %dma_start3A_9 = arith.constant 0 : i32
    %dma_start3A_10 = tpu.memref_slice %arg9[%dma_start3A, %dma_start3A_9] : memref<50x128xi32, #tpu.memory_space<vmem>> -> memref<1x128xi32, #tpu.memory_space<vmem>>
    %dma_start3A_11 = tpu.memref_squeeze %dma_start3A_10 : memref<1x128xi32, #tpu.memory_space<vmem>> -> memref<128xi32, #tpu.memory_space<vmem>>
    %dma_start3A_12 = arith.constant 0 : i32
    %dma_start3A_13 = arith.constant 0 : i32
    %dma_start3A_14 = tpu.memref_slice %arg5[%dma_start3A_12, %dma_start3A_13] : memref<100000x128xf32, #tpu.memory_space<hbm>> -> memref<100000x128xf32, #tpu.memory_space<hbm>>
    tpu.enqueue_indirect_dma source(%dma_start3A_14 : memref<100000x128xf32, #tpu.memory_space<hbm>>) target(%dma_start3A_8 : memref<128x128xf32, #tpu.memory_space<vmem>>) offsets(%dma_start3A_11 : memref<128xi32, #tpu.memory_space<vmem>>) semaphore(%arg14 : memref<!tpu.dma_semaphore, #tpu.memory_space<semaphore_mem>>)
    %dma_start3A_15 = arith.constant 0 : i32
    %dma_start3A_16 = arith.constant 0 : i32
    %dma_start3A_17 = arith.constant 0 : i32
    %dma_start3A_18 = arith.constant 0 : i32
    %dma_start3A_19 = tpu.memref_slice %arg12[%dma_start3A_16, %dma_start3A_17, %dma_start3A_18] : memref<2x384x128xf32, #tpu.memory_space<vmem>> -> memref<1x384x128xf32, #tpu.memory_space<vmem>>
    %dma_start3A_20 = tpu.memref_squeeze %dma_start3A_19 : memref<1x384x128xf32, #tpu.memory_space<vmem>> -> memref<384x128xf32, #tpu.memory_space<vmem>>
    %dma_start3A_21 = arith.constant 128 : i32
    %dma_start3A_22 = arith.constant 0 : i32
    %dma_start3A_23 = tpu.memref_slice %dma_start3A_20[%dma_start3A_21, %dma_start3A_22] : memref<384x128xf32, #tpu.memory_space<vmem>> -> memref<128x128xf32, #tpu.memory_space<vmem>>
    %dma_start3A_24 = arith.constant 0 : i32
    %dma_start3A_25 = tpu.memref_slice %arg10[%dma_start3A_15, %dma_start3A_24] : memref<50x128xi32, #tpu.memory_space<vmem>> -> memref<1x128xi32, #tpu.memory_space<vmem>>
    %dma_start3A_26 = tpu.memref_squeeze %dma_start3A_25 : memref<1x128xi32, #tpu.memory_space<vmem>> -> memref<128xi32, #tpu.memory_space<vmem>>
    %dma_start3A_27 = arith.constant 0 : i32
    %dma_start3A_28 = arith.constant 0 : i32
    %dma_start3A_29 = tpu.memref_slice %arg6[%dma_start3A_27, %dma_start3A_28] : memref<1000x128xf32, #tpu.memory_space<hbm>> -> memref<1000x128xf32, #tpu.memory_space<hbm>>
    tpu.enqueue_indirect_dma source(%dma_start3A_29 : memref<1000x128xf32, #tpu.memory_space<hbm>>) target(%dma_start3A_23 : memref<128x128xf32, #tpu.memory_space<vmem>>) offsets(%dma_start3A_26 : memref<128xi32, #tpu.memory_space<vmem>>) semaphore(%arg14 : memref<!tpu.dma_semaphore, #tpu.memory_space<semaphore_mem>>)
    %dma_start3A_30 = arith.constant 0 : i32
    %dma_start3A_31 = arith.constant 0 : i32
    %dma_start3A_32 = arith.constant 0 : i32
    %dma_start3A_33 = arith.constant 0 : i32
    %dma_start3A_34 = tpu.memref_slice %arg12[%dma_start3A_31, %dma_start3A_32, %dma_start3A_33] : memref<2x384x128xf32, #tpu.memory_space<vmem>> -> memref<1x384x128xf32, #tpu.memory_space<vmem>>
    %dma_start3A_35 = tpu.memref_squeeze %dma_start3A_34 : memref<1x384x128xf32, #tpu.memory_space<vmem>> -> memref<384x128xf32, #tpu.memory_space<vmem>>
    %dma_start3A_36 = arith.constant 256 : i32
    %dma_start3A_37 = arith.constant 0 : i32
    %dma_start3A_38 = tpu.memref_slice %dma_start3A_35[%dma_start3A_36, %dma_start3A_37] : memref<384x128xf32, #tpu.memory_space<vmem>> -> memref<128x128xf32, #tpu.memory_space<vmem>>
    %dma_start3A_39 = arith.constant 0 : i32
    %dma_start3A_40 = tpu.memref_slice %arg11[%dma_start3A_30, %dma_start3A_39] : memref<50x128xi32, #tpu.memory_space<vmem>> -> memref<1x128xi32, #tpu.memory_space<vmem>>
    %dma_start3A_41 = tpu.memref_squeeze %dma_start3A_40 : memref<1x128xi32, #tpu.memory_space<vmem>> -> memref<128xi32, #tpu.memory_space<vmem>>
    %dma_start3A_42 = arith.constant 0 : i32
    %dma_start3A_43 = arith.constant 0 : i32
    %dma_start3A_44 = tpu.memref_slice %arg7[%dma_start3A_42, %dma_start3A_43] : memref<1000x128xf32, #tpu.memory_space<hbm>> -> memref<1000x128xf32, #tpu.memory_space<hbm>>
    tpu.enqueue_indirect_dma source(%dma_start3A_44 : memref<1000x128xf32, #tpu.memory_space<hbm>>) target(%dma_start3A_38 : memref<128x128xf32, #tpu.memory_space<vmem>>) offsets(%dma_start3A_41 : memref<128xi32, #tpu.memory_space<vmem>>) semaphore(%arg14 : memref<!tpu.dma_semaphore, #tpu.memory_space<semaphore_mem>>)
    %scan3A = arith.constant 0 : i32
    %scan3A_45 = arith.constant 1 : i32
    %scan3A_46 = arith.constant 0 : i32
    %scan3A_47 = arith.constant 25 : i32
    %scan3A_48 = arith.addi %scan3A_46, %scan3A_47 : i32
    %scan3A_49 = arith.constant 1 : i32
    scf.for %scan3A_51 = %scan3A_46 to %scan3A_48 step %scan3A_49  : i32 {
      %mul3A_52 = arith.constant 2 : i32
      %mul3A_53 = arith.muli %scan3A_51, %mul3A_52 : i32
      %add3A_54 = arith.constant 0 : i32
      %add3A_55 = arith.addi %add3A_54, %mul3A_53 : i32
      %add3A_56 = arith.constant 0 : i32
      %add3A_57 = arith.addi %add3A_55, %add3A_56 : i32
      %dma_wait3A = arith.constant 0 : i32
      %dma_wait3A_58 = arith.constant 0 : i32
      %dma_wait3A_59 = tpu.memref_slice %arg12[%scan3A, %dma_wait3A, %dma_wait3A_58] : memref<2x384x128xf32, #tpu.memory_space<vmem>> -> memref<1x384x128xf32, #tpu.memory_space<vmem>>
      %dma_wait3A_60 = tpu.memref_squeeze %dma_wait3A_59 : memref<1x384x128xf32, #tpu.memory_space<vmem>> -> memref<384x128xf32, #tpu.memory_space<vmem>>
      %dma_wait3A_61 = arith.constant 0 : i32
      %dma_wait3A_62 = arith.constant 0 : i32
      %dma_wait3A_63 = tpu.memref_slice %arg5[%dma_wait3A_61, %dma_wait3A_62] : memref<100000x128xf32, #tpu.memory_space<hbm>> -> memref<384x128xf32, #tpu.memory_space<hbm>>
      %dma_wait3A_64 = arith.constant 0 : i32
      %dma_wait3A_65 = arith.constant 0 : i32
      %dma_wait3A_66 = tpu.memref_slice %arg12[%scan3A, %dma_wait3A_64, %dma_wait3A_65] : memref<2x384x128xf32, #tpu.memory_space<vmem>> -> memref<1x384x128xf32, #tpu.memory_space<vmem>>
      %dma_wait3A_67 = tpu.memref_squeeze %dma_wait3A_66 : memref<1x384x128xf32, #tpu.memory_space<vmem>> -> memref<384x128xf32, #tpu.memory_space<vmem>>
      %dma_wait3A_68 = arith.constant 0 : i32
      %dma_wait3A_69 = arith.constant 0 : i32
      %dma_wait3A_70 = tpu.memref_slice %arg5[%dma_wait3A_68, %dma_wait3A_69] : memref<100000x128xf32, #tpu.memory_space<hbm>> -> memref<384x128xf32, #tpu.memory_space<hbm>>
      tpu.wait_dma2 semaphore(%arg14 : memref<!tpu.dma_semaphore, #tpu.memory_space<semaphore_mem>>) src(%dma_wait3A_70 : memref<384x128xf32, #tpu.memory_space<hbm>>) dst(%dma_wait3A_67 : memref<384x128xf32, #tpu.memory_space<vmem>>)
      %add3A_71 = arith.constant 1 : i32
      %add3A_72 = arith.addi %add3A_57, %add3A_71 : i32
      %lt3A = arith.constant 50 : i32
      %lt3A_73 = arith.cmpi slt, %add3A_72, %lt3A : i32
      %convert_element_type3A = arith.extui %lt3A_73 : i1 to i32
      %cond3A = arith.constant 0 : i32
      %cond3A_74 = arith.cmpi ne, %convert_element_type3A, %cond3A : i32
      scf.if %cond3A_74 {
        %add3A_263 = arith.constant 1 : i32
        %add3A_264 = arith.addi %add3A_57, %add3A_263 : i32
        %dma_start3A_265 = arith.constant 0 : i32
        %dma_start3A_266 = arith.constant 0 : i32
        %dma_start3A_267 = tpu.memref_slice %arg12[%scan3A_45, %dma_start3A_265, %dma_start3A_266] : memref<2x384x128xf32, #tpu.memory_space<vmem>> -> memref<1x384x128xf32, #tpu.memory_space<vmem>>
        %dma_start3A_268 = tpu.memref_squeeze %dma_start3A_267 : memref<1x384x128xf32, #tpu.memory_space<vmem>> -> memref<384x128xf32, #tpu.memory_space<vmem>>
        %dma_start3A_269 = arith.constant 0 : i32
        %dma_start3A_270 = arith.constant 0 : i32
        %dma_start3A_271 = tpu.memref_slice %dma_start3A_268[%dma_start3A_269, %dma_start3A_270] : memref<384x128xf32, #tpu.memory_space<vmem>> -> memref<128x128xf32, #tpu.memory_space<vmem>>
        %dma_start3A_272 = arith.constant 0 : i32
        %dma_start3A_273 = tpu.memref_slice %arg9[%add3A_264, %dma_start3A_272] : memref<50x128xi32, #tpu.memory_space<vmem>> -> memref<1x128xi32, #tpu.memory_space<vmem>>
        %dma_start3A_274 = tpu.memref_squeeze %dma_start3A_273 : memref<1x128xi32, #tpu.memory_space<vmem>> -> memref<128xi32, #tpu.memory_space<vmem>>
        %dma_start3A_275 = arith.constant 0 : i32
        %dma_start3A_276 = arith.constant 0 : i32
        %dma_start3A_277 = tpu.memref_slice %arg5[%dma_start3A_275, %dma_start3A_276] : memref<100000x128xf32, #tpu.memory_space<hbm>> -> memref<100000x128xf32, #tpu.memory_space<hbm>>
        tpu.enqueue_indirect_dma source(%dma_start3A_277 : memref<100000x128xf32, #tpu.memory_space<hbm>>) target(%dma_start3A_271 : memref<128x128xf32, #tpu.memory_space<vmem>>) offsets(%dma_start3A_274 : memref<128xi32, #tpu.memory_space<vmem>>) semaphore(%arg15 : memref<!tpu.dma_semaphore, #tpu.memory_space<semaphore_mem>>)
        %dma_start3A_278 = arith.constant 0 : i32
        %dma_start3A_279 = arith.constant 0 : i32
        %dma_start3A_280 = tpu.memref_slice %arg12[%scan3A_45, %dma_start3A_278, %dma_start3A_279] : memref<2x384x128xf32, #tpu.memory_space<vmem>> -> memref<1x384x128xf32, #tpu.memory_space<vmem>>
        %dma_start3A_281 = tpu.memref_squeeze %dma_start3A_280 : memref<1x384x128xf32, #tpu.memory_space<vmem>> -> memref<384x128xf32, #tpu.memory_space<vmem>>
        %dma_start3A_282 = arith.constant 128 : i32
        %dma_start3A_283 = arith.constant 0 : i32
        %dma_start3A_284 = tpu.memref_slice %dma_start3A_281[%dma_start3A_282, %dma_start3A_283] : memref<384x128xf32, #tpu.memory_space<vmem>> -> memref<128x128xf32, #tpu.memory_space<vmem>>
        %dma_start3A_285 = arith.constant 0 : i32
        %dma_start3A_286 = tpu.memref_slice %arg10[%add3A_264, %dma_start3A_285] : memref<50x128xi32, #tpu.memory_space<vmem>> -> memref<1x128xi32, #tpu.memory_space<vmem>>
        %dma_start3A_287 = tpu.memref_squeeze %dma_start3A_286 : memref<1x128xi32, #tpu.memory_space<vmem>> -> memref<128xi32, #tpu.memory_space<vmem>>
        %dma_start3A_288 = arith.constant 0 : i32
        %dma_start3A_289 = arith.constant 0 : i32
        %dma_start3A_290 = tpu.memref_slice %arg6[%dma_start3A_288, %dma_start3A_289] : memref<1000x128xf32, #tpu.memory_space<hbm>> -> memref<1000x128xf32, #tpu.memory_space<hbm>>
        tpu.enqueue_indirect_dma source(%dma_start3A_290 : memref<1000x128xf32, #tpu.memory_space<hbm>>) target(%dma_start3A_284 : memref<128x128xf32, #tpu.memory_space<vmem>>) offsets(%dma_start3A_287 : memref<128xi32, #tpu.memory_space<vmem>>) semaphore(%arg15 : memref<!tpu.dma_semaphore, #tpu.memory_space<semaphore_mem>>)
        %dma_start3A_291 = arith.constant 0 : i32
        %dma_start3A_292 = arith.constant 0 : i32
        %dma_start3A_293 = tpu.memref_slice %arg12[%scan3A_45, %dma_start3A_291, %dma_start3A_292] : memref<2x384x128xf32, #tpu.memory_space<vmem>> -> memref<1x384x128xf32, #tpu.memory_space<vmem>>
        %dma_start3A_294 = tpu.memref_squeeze %dma_start3A_293 : memref<1x384x128xf32, #tpu.memory_space<vmem>> -> memref<384x128xf32, #tpu.memory_space<vmem>>
        %dma_start3A_295 = arith.constant 256 : i32
        %dma_start3A_296 = arith.constant 0 : i32
        %dma_start3A_297 = tpu.memref_slice %dma_start3A_294[%dma_start3A_295, %dma_start3A_296] : memref<384x128xf32, #tpu.memory_space<vmem>> -> memref<128x128xf32, #tpu.memory_space<vmem>>
        %dma_start3A_298 = arith.constant 0 : i32
        %dma_start3A_299 = tpu.memref_slice %arg11[%add3A_264, %dma_start3A_298] : memref<50x128xi32, #tpu.memory_space<vmem>> -> memref<1x128xi32, #tpu.memory_space<vmem>>
        %dma_start3A_300 = tpu.memref_squeeze %dma_start3A_299 : memref<1x128xi32, #tpu.memory_space<vmem>> -> memref<128xi32, #tpu.memory_space<vmem>>
        %dma_start3A_301 = arith.constant 0 : i32
        %dma_start3A_302 = arith.constant 0 : i32
        %dma_start3A_303 = tpu.memref_slice %arg7[%dma_start3A_301, %dma_start3A_302] : memref<1000x128xf32, #tpu.memory_space<hbm>> -> memref<1000x128xf32, #tpu.memory_space<hbm>>
        tpu.enqueue_indirect_dma source(%dma_start3A_303 : memref<1000x128xf32, #tpu.memory_space<hbm>>) target(%dma_start3A_297 : memref<128x128xf32, #tpu.memory_space<vmem>>) offsets(%dma_start3A_300 : memref<128xi32, #tpu.memory_space<vmem>>) semaphore(%arg15 : memref<!tpu.dma_semaphore, #tpu.memory_space<semaphore_mem>>)
      } else {
      }
      %broadcast_in_dim3A = arith.constant 0.000000e+00 : f32
      %broadcast_in_dim3A_75 = vector.broadcast %broadcast_in_dim3A : f32 to vector<16xf32>
      %broadcast_in_dim3A_76 = arith.constant 0.000000e+00 : f32
      %broadcast_in_dim3A_77 = vector.broadcast %broadcast_in_dim3A_76 : f32 to vector<16xf32>
      %broadcast_in_dim3A_78 = arith.constant 0.000000e+00 : f32
      %broadcast_in_dim3A_79 = vector.broadcast %broadcast_in_dim3A_78 : f32 to vector<16xf32>
      %broadcast_in_dim3A_80 = arith.constant 0.000000e+00 : f32
      %broadcast_in_dim3A_81 = vector.broadcast %broadcast_in_dim3A_80 : f32 to vector<16xf32>
      %broadcast_in_dim3A_82 = arith.constant 0.000000e+00 : f32
      %broadcast_in_dim3A_83 = vector.broadcast %broadcast_in_dim3A_82 : f32 to vector<16xf32>
      %broadcast_in_dim3A_84 = arith.constant 0.000000e+00 : f32
      %broadcast_in_dim3A_85 = vector.broadcast %broadcast_in_dim3A_84 : f32 to vector<16xf32>
      %broadcast_in_dim3A_86 = arith.constant 0.000000e+00 : f32
      %broadcast_in_dim3A_87 = vector.broadcast %broadcast_in_dim3A_86 : f32 to vector<16xf32>
      %broadcast_in_dim3A_88 = arith.constant 0.000000e+00 : f32
      %broadcast_in_dim3A_89 = vector.broadcast %broadcast_in_dim3A_88 : f32 to vector<16xf32>
      %parallel_loop3A = arith.constant 0 : i32
      %parallel_loop3A_90 = arith.constant 384 : i32
      %parallel_loop3A_91 = arith.constant 1 : i32
      %parallel_loop3A_92:8 = scf.for %parallel_loop3A_263 = %parallel_loop3A to %parallel_loop3A_90 step %parallel_loop3A_91 iter_args(%parallel_loop3A_264 = %broadcast_in_dim3A_75, %parallel_loop3A_265 = %broadcast_in_dim3A_77, %parallel_loop3A_266 = %broadcast_in_dim3A_79, %parallel_loop3A_267 = %broadcast_in_dim3A_81, %parallel_loop3A_268 = %broadcast_in_dim3A_83, %parallel_loop3A_269 = %broadcast_in_dim3A_85, %parallel_loop3A_270 = %broadcast_in_dim3A_87, %parallel_loop3A_271 = %broadcast_in_dim3A_89) -> (vector<16xf32>, vector<16xf32>, vector<16xf32>, vector<16xf32>, vector<16xf32>, vector<16xf32>, vector<16xf32>, vector<16xf32>)  : i32 {
        %parallel_loop3A_272 = arith.constant 0 : i32
        %parallel_loop3A_273 = arith.constant 0 : i32
        %parallel_loop3A_274 = tpu.memref_slice %arg12[%scan3A, %parallel_loop3A_272, %parallel_loop3A_273] : memref<2x384x128xf32, #tpu.memory_space<vmem>> -> memref<1x384x128xf32, #tpu.memory_space<vmem>>
        %parallel_loop3A_275 = tpu.memref_squeeze %parallel_loop3A_274 : memref<1x384x128xf32, #tpu.memory_space<vmem>> -> memref<384x128xf32, #tpu.memory_space<vmem>>
        %parallel_loop3A_276 = arith.index_cast %parallel_loop3A_263 : i32 to index
        %parallel_loop3A_277 = arith.constant 0 : index
        %parallel_loop3A_278 = tpu.vector_load %parallel_loop3A_275[%parallel_loop3A_276, %parallel_loop3A_277] {strides = array<i32>} : memref<384x128xf32, #tpu.memory_space<vmem>>, vector<1x16xf32>,
        %parallel_loop3A_279 = vector.shape_cast %parallel_loop3A_278 : vector<1x16xf32> to vector<16xf32>
        %parallel_loop3A_280 = arith.addf %parallel_loop3A_264, %parallel_loop3A_279 : vector<16xf32>
        %parallel_loop3A_281 = arith.constant 0 : i32
        %parallel_loop3A_282 = arith.constant 0 : i32
        %parallel_loop3A_283 = tpu.memref_slice %arg12[%scan3A, %parallel_loop3A_281, %parallel_loop3A_282] : memref<2x384x128xf32, #tpu.memory_space<vmem>> -> memref<1x384x128xf32, #tpu.memory_space<vmem>>
        %parallel_loop3A_284 = tpu.memref_squeeze %parallel_loop3A_283 : memref<1x384x128xf32, #tpu.memory_space<vmem>> -> memref<384x128xf32, #tpu.memory_space<vmem>>
        %parallel_loop3A_285 = arith.index_cast %parallel_loop3A_263 : i32 to index
        %parallel_loop3A_286 = arith.constant 16 : index
        %parallel_loop3A_287 = tpu.vector_load %parallel_loop3A_284[%parallel_loop3A_285, %parallel_loop3A_286] {strides = array<i32>} : memref<384x128xf32, #tpu.memory_space<vmem>>, vector<1x16xf32>,
        %parallel_loop3A_288 = vector.shape_cast %parallel_loop3A_287 : vector<1x16xf32> to vector<16xf32>
        %parallel_loop3A_289 = arith.addf %parallel_loop3A_265, %parallel_loop3A_288 : vector<16xf32>
        %parallel_loop3A_290 = arith.constant 0 : i32
        %parallel_loop3A_291 = arith.constant 0 : i32
        %parallel_loop3A_292 = tpu.memref_slice %arg12[%scan3A, %parallel_loop3A_290, %parallel_loop3A_291] : memref<2x384x128xf32, #tpu.memory_space<vmem>> -> memref<1x384x128xf32, #tpu.memory_space<vmem>>
        %parallel_loop3A_293 = tpu.memref_squeeze %parallel_loop3A_292 : memref<1x384x128xf32, #tpu.memory_space<vmem>> -> memref<384x128xf32, #tpu.memory_space<vmem>>
        %parallel_loop3A_294 = arith.index_cast %parallel_loop3A_263 : i32 to index
        %parallel_loop3A_295 = arith.constant 32 : index
        %parallel_loop3A_296 = tpu.vector_load %parallel_loop3A_293[%parallel_loop3A_294, %parallel_loop3A_295] {strides = array<i32>} : memref<384x128xf32, #tpu.memory_space<vmem>>, vector<1x16xf32>,
        %parallel_loop3A_297 = vector.shape_cast %parallel_loop3A_296 : vector<1x16xf32> to vector<16xf32>
        %parallel_loop3A_298 = arith.addf %parallel_loop3A_266, %parallel_loop3A_297 : vector<16xf32>
        %parallel_loop3A_299 = arith.constant 0 : i32
        %parallel_loop3A_300 = arith.constant 0 : i32
        %parallel_loop3A_301 = tpu.memref_slice %arg12[%scan3A, %parallel_loop3A_299, %parallel_loop3A_300] : memref<2x384x128xf32, #tpu.memory_space<vmem>> -> memref<1x384x128xf32, #tpu.memory_space<vmem>>
        %parallel_loop3A_302 = tpu.memref_squeeze %parallel_loop3A_301 : memref<1x384x128xf32, #tpu.memory_space<vmem>> -> memref<384x128xf32, #tpu.memory_space<vmem>>
        %parallel_loop3A_303 = arith.index_cast %parallel_loop3A_263 : i32 to index
        %parallel_loop3A_304 = arith.constant 48 : index
        %parallel_loop3A_305 = tpu.vector_load %parallel_loop3A_302[%parallel_loop3A_303, %parallel_loop3A_304] {strides = array<i32>} : memref<384x128xf32, #tpu.memory_space<vmem>>, vector<1x16xf32>,
        %parallel_loop3A_306 = vector.shape_cast %parallel_loop3A_305 : vector<1x16xf32> to vector<16xf32>
        %parallel_loop3A_307 = arith.addf %parallel_loop3A_267, %parallel_loop3A_306 : vector<16xf32>
        %parallel_loop3A_308 = arith.constant 0 : i32
        %parallel_loop3A_309 = arith.constant 0 : i32
        %parallel_loop3A_310 = tpu.memref_slice %arg12[%scan3A, %parallel_loop3A_308, %parallel_loop3A_309] : memref<2x384x128xf32, #tpu.memory_space<vmem>> -> memref<1x384x128xf32, #tpu.memory_space<vmem>>
        %parallel_loop3A_311 = tpu.memref_squeeze %parallel_loop3A_310 : memref<1x384x128xf32, #tpu.memory_space<vmem>> -> memref<384x128xf32, #tpu.memory_space<vmem>>
        %parallel_loop3A_312 = arith.index_cast %parallel_loop3A_263 : i32 to index
        %parallel_loop3A_313 = arith.constant 64 : index
        %parallel_loop3A_314 = tpu.vector_load %parallel_loop3A_311[%parallel_loop3A_312, %parallel_loop3A_313] {strides = array<i32>} : memref<384x128xf32, #tpu.memory_space<vmem>>, vector<1x16xf32>,
        %parallel_loop3A_315 = vector.shape_cast %parallel_loop3A_314 : vector<1x16xf32> to vector<16xf32>
        %parallel_loop3A_316 = arith.addf %parallel_loop3A_268, %parallel_loop3A_315 : vector<16xf32>
        %parallel_loop3A_317 = arith.constant 0 : i32
        %parallel_loop3A_318 = arith.constant 0 : i32
        %parallel_loop3A_319 = tpu.memref_slice %arg12[%scan3A, %parallel_loop3A_317, %parallel_loop3A_318] : memref<2x384x128xf32, #tpu.memory_space<vmem>> -> memref<1x384x128xf32, #tpu.memory_space<vmem>>
        %parallel_loop3A_320 = tpu.memref_squeeze %parallel_loop3A_319 : memref<1x384x128xf32, #tpu.memory_space<vmem>> -> memref<384x128xf32, #tpu.memory_space<vmem>>
        %parallel_loop3A_321 = arith.index_cast %parallel_loop3A_263 : i32 to index
        %parallel_loop3A_322 = arith.constant 80 : index
        %parallel_loop3A_323 = tpu.vector_load %parallel_loop3A_320[%parallel_loop3A_321, %parallel_loop3A_322] {strides = array<i32>} : memref<384x128xf32, #tpu.memory_space<vmem>>, vector<1x16xf32>,
        %parallel_loop3A_324 = vector.shape_cast %parallel_loop3A_323 : vector<1x16xf32> to vector<16xf32>
        %parallel_loop3A_325 = arith.addf %parallel_loop3A_269, %parallel_loop3A_324 : vector<16xf32>
        %parallel_loop3A_326 = arith.constant 0 : i32
        %parallel_loop3A_327 = arith.constant 0 : i32
        %parallel_loop3A_328 = tpu.memref_slice %arg12[%scan3A, %parallel_loop3A_326, %parallel_loop3A_327] : memref<2x384x128xf32, #tpu.memory_space<vmem>> -> memref<1x384x128xf32, #tpu.memory_space<vmem>>
        %parallel_loop3A_329 = tpu.memref_squeeze %parallel_loop3A_328 : memref<1x384x128xf32, #tpu.memory_space<vmem>> -> memref<384x128xf32, #tpu.memory_space<vmem>>
        %parallel_loop3A_330 = arith.index_cast %parallel_loop3A_263 : i32 to index
        %parallel_loop3A_331 = arith.constant 96 : index
        %parallel_loop3A_332 = tpu.vector_load %parallel_loop3A_329[%parallel_loop3A_330, %parallel_loop3A_331] {strides = array<i32>} : memref<384x128xf32, #tpu.memory_space<vmem>>, vector<1x16xf32>,
        %parallel_loop3A_333 = vector.shape_cast %parallel_loop3A_332 : vector<1x16xf32> to vector<16xf32>
        %parallel_loop3A_334 = arith.addf %parallel_loop3A_270, %parallel_loop3A_333 : vector<16xf32>
        %parallel_loop3A_335 = arith.constant 0 : i32
        %parallel_loop3A_336 = arith.constant 0 : i32
        %parallel_loop3A_337 = tpu.memref_slice %arg12[%scan3A, %parallel_loop3A_335, %parallel_loop3A_336] : memref<2x384x128xf32, #tpu.memory_space<vmem>> -> memref<1x384x128xf32, #tpu.memory_space<vmem>>
        %parallel_loop3A_338 = tpu.memref_squeeze %parallel_loop3A_337 : memref<1x384x128xf32, #tpu.memory_space<vmem>> -> memref<384x128xf32, #tpu.memory_space<vmem>>
        %parallel_loop3A_339 = arith.index_cast %parallel_loop3A_263 : i32 to index
        %parallel_loop3A_340 = arith.constant 112 : index
        %parallel_loop3A_341 = tpu.vector_load %parallel_loop3A_338[%parallel_loop3A_339, %parallel_loop3A_340] {strides = array<i32>} : memref<384x128xf32, #tpu.memory_space<vmem>>, vector<1x16xf32>,
        %parallel_loop3A_342 = vector.shape_cast %parallel_loop3A_341 : vector<1x16xf32> to vector<16xf32>
        %parallel_loop3A_343 = arith.addf %parallel_loop3A_271, %parallel_loop3A_342 : vector<16xf32>
        scf.yield %parallel_loop3A_280, %parallel_loop3A_289, %parallel_loop3A_298, %parallel_loop3A_307, %parallel_loop3A_316, %parallel_loop3A_325, %parallel_loop3A_334, %parallel_loop3A_343 : vector<16xf32>, vector<16xf32>, vector<16xf32>, vector<16xf32>, vector<16xf32>, vector<16xf32>, vector<16xf32>, vector<16xf32>
      } {sc.loop_unroll_factor = 4 : i64, sc.parallel_access}
      %mul3A_93 = arith.constant 7.812500e-03 : f32
      %mul3A_94 = vector.broadcast %mul3A_93 : f32 to vector<16xf32>
      %mul3A_95 = arith.mulf %parallel_loop3A_92#0, %mul3A_94 : vector<16xf32>
      %swap3A = arith.index_cast %add3A_57 : i32 to index
      %swap3A_96 = arith.constant 0 : index
      %swap3A_97 = tpu.vector_load %arg13[%swap3A, %swap3A_96] {strides = array<i32>} : memref<50x128xf32, #tpu.memory_space<vmem>>, vector<1x16xf32>,
      %swap3A_98 = vector.shape_cast %swap3A_97 : vector<1x16xf32> to vector<16xf32>
      %swap3A_99 = vector.shape_cast %mul3A_95 : vector<16xf32> to vector<1x16xf32>
      tpu.vector_store %arg13[%swap3A, %swap3A_96], %swap3A_99 {strides = array<i32>} : memref<50x128xf32, #tpu.memory_space<vmem>>, vector<1x16xf32>,
      %mul3A_100 = arith.constant 7.812500e-03 : f32
      %mul3A_101 = vector.broadcast %mul3A_100 : f32 to vector<16xf32>
      %mul3A_102 = arith.mulf %parallel_loop3A_92#1, %mul3A_101 : vector<16xf32>
      %swap3A_103 = arith.index_cast %add3A_57 : i32 to index
      %swap3A_104 = arith.constant 16 : index
      %swap3A_105 = tpu.vector_load %arg13[%swap3A_103, %swap3A_104] {strides = array<i32>} : memref<50x128xf32, #tpu.memory_space<vmem>>, vector<1x16xf32>,
      %swap3A_106 = vector.shape_cast %swap3A_105 : vector<1x16xf32> to vector<16xf32>
      %swap3A_107 = vector.shape_cast %mul3A_102 : vector<16xf32> to vector<1x16xf32>
      tpu.vector_store %arg13[%swap3A_103, %swap3A_104], %swap3A_107 {strides = array<i32>} : memref<50x128xf32, #tpu.memory_space<vmem>>, vector<1x16xf32>,
      %mul3A_108 = arith.constant 7.812500e-03 : f32
      %mul3A_109 = vector.broadcast %mul3A_108 : f32 to vector<16xf32>
      %mul3A_110 = arith.mulf %parallel_loop3A_92#2, %mul3A_109 : vector<16xf32>
      %swap3A_111 = arith.index_cast %add3A_57 : i32 to index
      %swap3A_112 = arith.constant 32 : index
      %swap3A_113 = tpu.vector_load %arg13[%swap3A_111, %swap3A_112] {strides = array<i32>} : memref<50x128xf32, #tpu.memory_space<vmem>>, vector<1x16xf32>,
      %swap3A_114 = vector.shape_cast %swap3A_113 : vector<1x16xf32> to vector<16xf32>
      %swap3A_115 = vector.shape_cast %mul3A_110 : vector<16xf32> to vector<1x16xf32>
      tpu.vector_store %arg13[%swap3A_111, %swap3A_112], %swap3A_115 {strides = array<i32>} : memref<50x128xf32, #tpu.memory_space<vmem>>, vector<1x16xf32>,
      %mul3A_116 = arith.constant 7.812500e-03 : f32
      %mul3A_117 = vector.broadcast %mul3A_116 : f32 to vector<16xf32>
      %mul3A_118 = arith.mulf %parallel_loop3A_92#3, %mul3A_117 : vector<16xf32>
      %swap3A_119 = arith.index_cast %add3A_57 : i32 to index
      %swap3A_120 = arith.constant 48 : index
      %swap3A_121 = tpu.vector_load %arg13[%swap3A_119, %swap3A_120] {strides = array<i32>} : memref<50x128xf32, #tpu.memory_space<vmem>>, vector<1x16xf32>,
      %swap3A_122 = vector.shape_cast %swap3A_121 : vector<1x16xf32> to vector<16xf32>
      %swap3A_123 = vector.shape_cast %mul3A_118 : vector<16xf32> to vector<1x16xf32>
      tpu.vector_store %arg13[%swap3A_119, %swap3A_120], %swap3A_123 {strides = array<i32>} : memref<50x128xf32, #tpu.memory_space<vmem>>, vector<1x16xf32>,
      %mul3A_124 = arith.constant 7.812500e-03 : f32
      %mul3A_125 = vector.broadcast %mul3A_124 : f32 to vector<16xf32>
      %mul3A_126 = arith.mulf %parallel_loop3A_92#4, %mul3A_125 : vector<16xf32>
      %swap3A_127 = arith.index_cast %add3A_57 : i32 to index
      %swap3A_128 = arith.constant 64 : index
      %swap3A_129 = tpu.vector_load %arg13[%swap3A_127, %swap3A_128] {strides = array<i32>} : memref<50x128xf32, #tpu.memory_space<vmem>>, vector<1x16xf32>,
      %swap3A_130 = vector.shape_cast %swap3A_129 : vector<1x16xf32> to vector<16xf32>
      %swap3A_131 = vector.shape_cast %mul3A_126 : vector<16xf32> to vector<1x16xf32>
      tpu.vector_store %arg13[%swap3A_127, %swap3A_128], %swap3A_131 {strides = array<i32>} : memref<50x128xf32, #tpu.memory_space<vmem>>, vector<1x16xf32>,
      %mul3A_132 = arith.constant 7.812500e-03 : f32
      %mul3A_133 = vector.broadcast %mul3A_132 : f32 to vector<16xf32>
      %mul3A_134 = arith.mulf %parallel_loop3A_92#5, %mul3A_133 : vector<16xf32>
      %swap3A_135 = arith.index_cast %add3A_57 : i32 to index
      %swap3A_136 = arith.constant 80 : index
      %swap3A_137 = tpu.vector_load %arg13[%swap3A_135, %swap3A_136] {strides = array<i32>} : memref<50x128xf32, #tpu.memory_space<vmem>>, vector<1x16xf32>,
      %swap3A_138 = vector.shape_cast %swap3A_137 : vector<1x16xf32> to vector<16xf32>
      %swap3A_139 = vector.shape_cast %mul3A_134 : vector<16xf32> to vector<1x16xf32>
      tpu.vector_store %arg13[%swap3A_135, %swap3A_136], %swap3A_139 {strides = array<i32>} : memref<50x128xf32, #tpu.memory_space<vmem>>, vector<1x16xf32>,
      %mul3A_140 = arith.constant 7.812500e-03 : f32
      %mul3A_141 = vector.broadcast %mul3A_140 : f32 to vector<16xf32>
      %mul3A_142 = arith.mulf %parallel_loop3A_92#6, %mul3A_141 : vector<16xf32>
      %swap3A_143 = arith.index_cast %add3A_57 : i32 to index
      %swap3A_144 = arith.constant 96 : index
      %swap3A_145 = tpu.vector_load %arg13[%swap3A_143, %swap3A_144] {strides = array<i32>} : memref<50x128xf32, #tpu.memory_space<vmem>>, vector<1x16xf32>,
      %swap3A_146 = vector.shape_cast %swap3A_145 : vector<1x16xf32> to vector<16xf32>
      %swap3A_147 = vector.shape_cast %mul3A_142 : vector<16xf32> to vector<1x16xf32>
      tpu.vector_store %arg13[%swap3A_143, %swap3A_144], %swap3A_147 {strides = array<i32>} : memref<50x128xf32, #tpu.memory_space<vmem>>, vector<1x16xf32>,
      %mul3A_148 = arith.constant 7.812500e-03 : f32
      %mul3A_149 = vector.broadcast %mul3A_148 : f32 to vector<16xf32>
      %mul3A_150 = arith.mulf %parallel_loop3A_92#7, %mul3A_149 : vector<16xf32>
      %swap3A_151 = arith.index_cast %add3A_57 : i32 to index
      %swap3A_152 = arith.constant 112 : index
      %swap3A_153 = tpu.vector_load %arg13[%swap3A_151, %swap3A_152] {strides = array<i32>} : memref<50x128xf32, #tpu.memory_space<vmem>>, vector<1x16xf32>,
      %swap3A_154 = vector.shape_cast %swap3A_153 : vector<1x16xf32> to vector<16xf32>
      %swap3A_155 = vector.shape_cast %mul3A_150 : vector<16xf32> to vector<1x16xf32>
      tpu.vector_store %arg13[%swap3A_151, %swap3A_152], %swap3A_155 {strides = array<i32>} : memref<50x128xf32, #tpu.memory_space<vmem>>, vector<1x16xf32>,
      %add3A_156 = arith.constant 1 : i32
      %add3A_157 = arith.addi %add3A_55, %add3A_156 : i32
      %dma_wait3A_158 = arith.constant 0 : i32
      %dma_wait3A_159 = arith.constant 0 : i32
      %dma_wait3A_160 = tpu.memref_slice %arg12[%scan3A_45, %dma_wait3A_158, %dma_wait3A_159] : memref<2x384x128xf32, #tpu.memory_space<vmem>> -> memref<1x384x128xf32, #tpu.memory_space<vmem>>
      %dma_wait3A_161 = tpu.memref_squeeze %dma_wait3A_160 : memref<1x384x128xf32, #tpu.memory_space<vmem>> -> memref<384x128xf32, #tpu.memory_space<vmem>>
      %dma_wait3A_162 = arith.constant 0 : i32
      %dma_wait3A_163 = arith.constant 0 : i32
      %dma_wait3A_164 = tpu.memref_slice %arg5[%dma_wait3A_162, %dma_wait3A_163] : memref<100000x128xf32, #tpu.memory_space<hbm>> -> memref<384x128xf32, #tpu.memory_space<hbm>>
      %dma_wait3A_165 = arith.constant 0 : i32
      %dma_wait3A_166 = arith.constant 0 : i32
      %dma_wait3A_167 = tpu.memref_slice %arg12[%scan3A_45, %dma_wait3A_165, %dma_wait3A_166] : memref<2x384x128xf32, #tpu.memory_space<vmem>> -> memref<1x384x128xf32, #tpu.memory_space<vmem>>
      %dma_wait3A_168 = tpu.memref_squeeze %dma_wait3A_167 : memref<1x384x128xf32, #tpu.memory_space<vmem>> -> memref<384x128xf32, #tpu.memory_space<vmem>>
      %dma_wait3A_169 = arith.constant 0 : i32
      %dma_wait3A_170 = arith.constant 0 : i32
      %dma_wait3A_171 = tpu.memref_slice %arg5[%dma_wait3A_169, %dma_wait3A_170] : memref<100000x128xf32, #tpu.memory_space<hbm>> -> memref<384x128xf32, #tpu.memory_space<hbm>>
      tpu.wait_dma2 semaphore(%arg15 : memref<!tpu.dma_semaphore, #tpu.memory_space<semaphore_mem>>) src(%dma_wait3A_171 : memref<384x128xf32, #tpu.memory_space<hbm>>) dst(%dma_wait3A_168 : memref<384x128xf32, #tpu.memory_space<vmem>>)
      %add3A_172 = arith.constant 1 : i32
      %add3A_173 = arith.addi %add3A_157, %add3A_172 : i32
      %lt3A_174 = arith.constant 50 : i32
      %lt3A_175 = arith.cmpi slt, %add3A_173, %lt3A_174 : i32
      %convert_element_type3A_176 = arith.extui %lt3A_175 : i1 to i32
      %cond3A_177 = arith.constant 0 : i32
      %cond3A_178 = arith.cmpi ne, %convert_element_type3A_176, %cond3A_177 : i32
      scf.if %cond3A_178 {
        %add3A_263 = arith.constant 1 : i32
        %add3A_264 = arith.addi %add3A_157, %add3A_263 : i32
        %dma_start3A_265 = arith.constant 0 : i32
        %dma_start3A_266 = arith.constant 0 : i32
        %dma_start3A_267 = tpu.memref_slice %arg12[%scan3A, %dma_start3A_265, %dma_start3A_266] : memref<2x384x128xf32, #tpu.memory_space<vmem>> -> memref<1x384x128xf32, #tpu.memory_space<vmem>>
        %dma_start3A_268 = tpu.memref_squeeze %dma_start3A_267 : memref<1x384x128xf32, #tpu.memory_space<vmem>> -> memref<384x128xf32, #tpu.memory_space<vmem>>
        %dma_start3A_269 = arith.constant 0 : i32
        %dma_start3A_270 = arith.constant 0 : i32
        %dma_start3A_271 = tpu.memref_slice %dma_start3A_268[%dma_start3A_269, %dma_start3A_270] : memref<384x128xf32, #tpu.memory_space<vmem>> -> memref<128x128xf32, #tpu.memory_space<vmem>>
        %dma_start3A_272 = arith.constant 0 : i32
        %dma_start3A_273 = tpu.memref_slice %arg9[%add3A_264, %dma_start3A_272] : memref<50x128xi32, #tpu.memory_space<vmem>> -> memref<1x128xi32, #tpu.memory_space<vmem>>
        %dma_start3A_274 = tpu.memref_squeeze %dma_start3A_273 : memref<1x128xi32, #tpu.memory_space<vmem>> -> memref<128xi32, #tpu.memory_space<vmem>>
        %dma_start3A_275 = arith.constant 0 : i32
        %dma_start3A_276 = arith.constant 0 : i32
        %dma_start3A_277 = tpu.memref_slice %arg5[%dma_start3A_275, %dma_start3A_276] : memref<100000x128xf32, #tpu.memory_space<hbm>> -> memref<100000x128xf32, #tpu.memory_space<hbm>>
        tpu.enqueue_indirect_dma source(%dma_start3A_277 : memref<100000x128xf32, #tpu.memory_space<hbm>>) target(%dma_start3A_271 : memref<128x128xf32, #tpu.memory_space<vmem>>) offsets(%dma_start3A_274 : memref<128xi32, #tpu.memory_space<vmem>>) semaphore(%arg14 : memref<!tpu.dma_semaphore, #tpu.memory_space<semaphore_mem>>)
        %dma_start3A_278 = arith.constant 0 : i32
        %dma_start3A_279 = arith.constant 0 : i32
        %dma_start3A_280 = tpu.memref_slice %arg12[%scan3A, %dma_start3A_278, %dma_start3A_279] : memref<2x384x128xf32, #tpu.memory_space<vmem>> -> memref<1x384x128xf32, #tpu.memory_space<vmem>>
        %dma_start3A_281 = tpu.memref_squeeze %dma_start3A_280 : memref<1x384x128xf32, #tpu.memory_space<vmem>> -> memref<384x128xf32, #tpu.memory_space<vmem>>
        %dma_start3A_282 = arith.constant 128 : i32
        %dma_start3A_283 = arith.constant 0 : i32
        %dma_start3A_284 = tpu.memref_slice %dma_start3A_281[%dma_start3A_282, %dma_start3A_283] : memref<384x128xf32, #tpu.memory_space<vmem>> -> memref<128x128xf32, #tpu.memory_space<vmem>>
        %dma_start3A_285 = arith.constant 0 : i32
        %dma_start3A_286 = tpu.memref_slice %arg10[%add3A_264, %dma_start3A_285] : memref<50x128xi32, #tpu.memory_space<vmem>> -> memref<1x128xi32, #tpu.memory_space<vmem>>
        %dma_start3A_287 = tpu.memref_squeeze %dma_start3A_286 : memref<1x128xi32, #tpu.memory_space<vmem>> -> memref<128xi32, #tpu.memory_space<vmem>>
        %dma_start3A_288 = arith.constant 0 : i32
        %dma_start3A_289 = arith.constant 0 : i32
        %dma_start3A_290 = tpu.memref_slice %arg6[%dma_start3A_288, %dma_start3A_289] : memref<1000x128xf32, #tpu.memory_space<hbm>> -> memref<1000x128xf32, #tpu.memory_space<hbm>>
        tpu.enqueue_indirect_dma source(%dma_start3A_290 : memref<1000x128xf32, #tpu.memory_space<hbm>>) target(%dma_start3A_284 : memref<128x128xf32, #tpu.memory_space<vmem>>) offsets(%dma_start3A_287 : memref<128xi32, #tpu.memory_space<vmem>>) semaphore(%arg14 : memref<!tpu.dma_semaphore, #tpu.memory_space<semaphore_mem>>)
        %dma_start3A_291 = arith.constant 0 : i32
        %dma_start3A_292 = arith.constant 0 : i32
        %dma_start3A_293 = tpu.memref_slice %arg12[%scan3A, %dma_start3A_291, %dma_start3A_292] : memref<2x384x128xf32, #tpu.memory_space<vmem>> -> memref<1x384x128xf32, #tpu.memory_space<vmem>>
        %dma_start3A_294 = tpu.memref_squeeze %dma_start3A_293 : memref<1x384x128xf32, #tpu.memory_space<vmem>> -> memref<384x128xf32, #tpu.memory_space<vmem>>
        %dma_start3A_295 = arith.constant 256 : i32
        %dma_start3A_296 = arith.constant 0 : i32
        %dma_start3A_297 = tpu.memref_slice %dma_start3A_294[%dma_start3A_295, %dma_start3A_296] : memref<384x128xf32, #tpu.memory_space<vmem>> -> memref<128x128xf32, #tpu.memory_space<vmem>>
        %dma_start3A_298 = arith.constant 0 : i32
        %dma_start3A_299 = tpu.memref_slice %arg11[%add3A_264, %dma_start3A_298] : memref<50x128xi32, #tpu.memory_space<vmem>> -> memref<1x128xi32, #tpu.memory_space<vmem>>
        %dma_start3A_300 = tpu.memref_squeeze %dma_start3A_299 : memref<1x128xi32, #tpu.memory_space<vmem>> -> memref<128xi32, #tpu.memory_space<vmem>>
        %dma_start3A_301 = arith.constant 0 : i32
        %dma_start3A_302 = arith.constant 0 : i32
        %dma_start3A_303 = tpu.memref_slice %arg7[%dma_start3A_301, %dma_start3A_302] : memref<1000x128xf32, #tpu.memory_space<hbm>> -> memref<1000x128xf32, #tpu.memory_space<hbm>>
        tpu.enqueue_indirect_dma source(%dma_start3A_303 : memref<1000x128xf32, #tpu.memory_space<hbm>>) target(%dma_start3A_297 : memref<128x128xf32, #tpu.memory_space<vmem>>) offsets(%dma_start3A_300 : memref<128xi32, #tpu.memory_space<vmem>>) semaphore(%arg14 : memref<!tpu.dma_semaphore, #tpu.memory_space<semaphore_mem>>)
      } else {
      }
      %broadcast_in_dim3A_179 = arith.constant 0.000000e+00 : f32
      %broadcast_in_dim3A_180 = vector.broadcast %broadcast_in_dim3A_179 : f32 to vector<16xf32>
      %broadcast_in_dim3A_181 = arith.constant 0.000000e+00 : f32
      %broadcast_in_dim3A_182 = vector.broadcast %broadcast_in_dim3A_181 : f32 to vector<16xf32>
      %broadcast_in_dim3A_183 = arith.constant 0.000000e+00 : f32
      %broadcast_in_dim3A_184 = vector.broadcast %broadcast_in_dim3A_183 : f32 to vector<16xf32>
      %broadcast_in_dim3A_185 = arith.constant 0.000000e+00 : f32
      %broadcast_in_dim3A_186 = vector.broadcast %broadcast_in_dim3A_185 : f32 to vector<16xf32>
      %broadcast_in_dim3A_187 = arith.constant 0.000000e+00 : f32
      %broadcast_in_dim3A_188 = vector.broadcast %broadcast_in_dim3A_187 : f32 to vector<16xf32>
      %broadcast_in_dim3A_189 = arith.constant 0.000000e+00 : f32
      %broadcast_in_dim3A_190 = vector.broadcast %broadcast_in_dim3A_189 : f32 to vector<16xf32>
      %broadcast_in_dim3A_191 = arith.constant 0.000000e+00 : f32
      %broadcast_in_dim3A_192 = vector.broadcast %broadcast_in_dim3A_191 : f32 to vector<16xf32>
      %broadcast_in_dim3A_193 = arith.constant 0.000000e+00 : f32
      %broadcast_in_dim3A_194 = vector.broadcast %broadcast_in_dim3A_193 : f32 to vector<16xf32>
      %parallel_loop3A_195 = arith.constant 0 : i32
      %parallel_loop3A_196 = arith.constant 384 : i32
      %parallel_loop3A_197 = arith.constant 1 : i32
      %parallel_loop3A_198:8 = scf.for %parallel_loop3A_263 = %parallel_loop3A_195 to %parallel_loop3A_196 step %parallel_loop3A_197 iter_args(%parallel_loop3A_264 = %broadcast_in_dim3A_180, %parallel_loop3A_265 = %broadcast_in_dim3A_182, %parallel_loop3A_266 = %broadcast_in_dim3A_184, %parallel_loop3A_267 = %broadcast_in_dim3A_186, %parallel_loop3A_268 = %broadcast_in_dim3A_188, %parallel_loop3A_269 = %broadcast_in_dim3A_190, %parallel_loop3A_270 = %broadcast_in_dim3A_192, %parallel_loop3A_271 = %broadcast_in_dim3A_194) -> (vector<16xf32>, vector<16xf32>, vector<16xf32>, vector<16xf32>, vector<16xf32>, vector<16xf32>, vector<16xf32>, vector<16xf32>)  : i32 {
        %parallel_loop3A_272 = arith.constant 0 : i32
        %parallel_loop3A_273 = arith.constant 0 : i32
        %parallel_loop3A_274 = tpu.memref_slice %arg12[%scan3A_45, %parallel_loop3A_272, %parallel_loop3A_273] : memref<2x384x128xf32, #tpu.memory_space<vmem>> -> memref<1x384x128xf32, #tpu.memory_space<vmem>>
        %parallel_loop3A_275 = tpu.memref_squeeze %parallel_loop3A_274 : memref<1x384x128xf32, #tpu.memory_space<vmem>> -> memref<384x128xf32, #tpu.memory_space<vmem>>
        %parallel_loop3A_276 = arith.index_cast %parallel_loop3A_263 : i32 to index
        %parallel_loop3A_277 = arith.constant 0 : index
        %parallel_loop3A_278 = tpu.vector_load %parallel_loop3A_275[%parallel_loop3A_276, %parallel_loop3A_277] {strides = array<i32>} : memref<384x128xf32, #tpu.memory_space<vmem>>, vector<1x16xf32>,
        %parallel_loop3A_279 = vector.shape_cast %parallel_loop3A_278 : vector<1x16xf32> to vector<16xf32>
        %parallel_loop3A_280 = arith.addf %parallel_loop3A_264, %parallel_loop3A_279 : vector<16xf32>
        %parallel_loop3A_281 = arith.constant 0 : i32
        %parallel_loop3A_282 = arith.constant 0 : i32
        %parallel_loop3A_283 = tpu.memref_slice %arg12[%scan3A_45, %parallel_loop3A_281, %parallel_loop3A_282] : memref<2x384x128xf32, #tpu.memory_space<vmem>> -> memref<1x384x128xf32, #tpu.memory_space<vmem>>
        %parallel_loop3A_284 = tpu.memref_squeeze %parallel_loop3A_283 : memref<1x384x128xf32, #tpu.memory_space<vmem>> -> memref<384x128xf32, #tpu.memory_space<vmem>>
        %parallel_loop3A_285 = arith.index_cast %parallel_loop3A_263 : i32 to index
        %parallel_loop3A_286 = arith.constant 16 : index
        %parallel_loop3A_287 = tpu.vector_load %parallel_loop3A_284[%parallel_loop3A_285, %parallel_loop3A_286] {strides = array<i32>} : memref<384x128xf32, #tpu.memory_space<vmem>>, vector<1x16xf32>,
        %parallel_loop3A_288 = vector.shape_cast %parallel_loop3A_287 : vector<1x16xf32> to vector<16xf32>
        %parallel_loop3A_289 = arith.addf %parallel_loop3A_265, %parallel_loop3A_288 : vector<16xf32>
        %parallel_loop3A_290 = arith.constant 0 : i32
        %parallel_loop3A_291 = arith.constant 0 : i32
        %parallel_loop3A_292 = tpu.memref_slice %arg12[%scan3A_45, %parallel_loop3A_290, %parallel_loop3A_291] : memref<2x384x128xf32, #tpu.memory_space<vmem>> -> memref<1x384x128xf32, #tpu.memory_space<vmem>>
        %parallel_loop3A_293 = tpu.memref_squeeze %parallel_loop3A_292 : memref<1x384x128xf32, #tpu.memory_space<vmem>> -> memref<384x128xf32, #tpu.memory_space<vmem>>
        %parallel_loop3A_294 = arith.index_cast %parallel_loop3A_263 : i32 to index
        %parallel_loop3A_295 = arith.constant 32 : index
        %parallel_loop3A_296 = tpu.vector_load %parallel_loop3A_293[%parallel_loop3A_294, %parallel_loop3A_295] {strides = array<i32>} : memref<384x128xf32, #tpu.memory_space<vmem>>, vector<1x16xf32>,
        %parallel_loop3A_297 = vector.shape_cast %parallel_loop3A_296 : vector<1x16xf32> to vector<16xf32>
        %parallel_loop3A_298 = arith.addf %parallel_loop3A_266, %parallel_loop3A_297 : vector<16xf32>
        %parallel_loop3A_299 = arith.constant 0 : i32
        %parallel_loop3A_300 = arith.constant 0 : i32
        %parallel_loop3A_301 = tpu.memref_slice %arg12[%scan3A_45, %parallel_loop3A_299, %parallel_loop3A_300] : memref<2x384x128xf32, #tpu.memory_space<vmem>> -> memref<1x384x128xf32, #tpu.memory_space<vmem>>
        %parallel_loop3A_302 = tpu.memref_squeeze %parallel_loop3A_301 : memref<1x384x128xf32, #tpu.memory_space<vmem>> -> memref<384x128xf32, #tpu.memory_space<vmem>>
        %parallel_loop3A_303 = arith.index_cast %parallel_loop3A_263 : i32 to index
        %parallel_loop3A_304 = arith.constant 48 : index
        %parallel_loop3A_305 = tpu.vector_load %parallel_loop3A_302[%parallel_loop3A_303, %parallel_loop3A_304] {strides = array<i32>} : memref<384x128xf32, #tpu.memory_space<vmem>>, vector<1x16xf32>,
        %parallel_loop3A_306 = vector.shape_cast %parallel_loop3A_305 : vector<1x16xf32> to vector<16xf32>
        %parallel_loop3A_307 = arith.addf %parallel_loop3A_267, %parallel_loop3A_306 : vector<16xf32>
        %parallel_loop3A_308 = arith.constant 0 : i32
        %parallel_loop3A_309 = arith.constant 0 : i32
        %parallel_loop3A_310 = tpu.memref_slice %arg12[%scan3A_45, %parallel_loop3A_308, %parallel_loop3A_309] : memref<2x384x128xf32, #tpu.memory_space<vmem>> -> memref<1x384x128xf32, #tpu.memory_space<vmem>>
        %parallel_loop3A_311 = tpu.memref_squeeze %parallel_loop3A_310 : memref<1x384x128xf32, #tpu.memory_space<vmem>> -> memref<384x128xf32, #tpu.memory_space<vmem>>
        %parallel_loop3A_312 = arith.index_cast %parallel_loop3A_263 : i32 to index
        %parallel_loop3A_313 = arith.constant 64 : index
        %parallel_loop3A_314 = tpu.vector_load %parallel_loop3A_311[%parallel_loop3A_312, %parallel_loop3A_313] {strides = array<i32>} : memref<384x128xf32, #tpu.memory_space<vmem>>, vector<1x16xf32>,
        %parallel_loop3A_315 = vector.shape_cast %parallel_loop3A_314 : vector<1x16xf32> to vector<16xf32>
        %parallel_loop3A_316 = arith.addf %parallel_loop3A_268, %parallel_loop3A_315 : vector<16xf32>
        %parallel_loop3A_317 = arith.constant 0 : i32
        %parallel_loop3A_318 = arith.constant 0 : i32
        %parallel_loop3A_319 = tpu.memref_slice %arg12[%scan3A_45, %parallel_loop3A_317, %parallel_loop3A_318] : memref<2x384x128xf32, #tpu.memory_space<vmem>> -> memref<1x384x128xf32, #tpu.memory_space<vmem>>
        %parallel_loop3A_320 = tpu.memref_squeeze %parallel_loop3A_319 : memref<1x384x128xf32, #tpu.memory_space<vmem>> -> memref<384x128xf32, #tpu.memory_space<vmem>>
        %parallel_loop3A_321 = arith.index_cast %parallel_loop3A_263 : i32 to index
        %parallel_loop3A_322 = arith.constant 80 : index
        %parallel_loop3A_323 = tpu.vector_load %parallel_loop3A_320[%parallel_loop3A_321, %parallel_loop3A_322] {strides = array<i32>} : memref<384x128xf32, #tpu.memory_space<vmem>>, vector<1x16xf32>,
        %parallel_loop3A_324 = vector.shape_cast %parallel_loop3A_323 : vector<1x16xf32> to vector<16xf32>
        %parallel_loop3A_325 = arith.addf %parallel_loop3A_269, %parallel_loop3A_324 : vector<16xf32>
        %parallel_loop3A_326 = arith.constant 0 : i32
        %parallel_loop3A_327 = arith.constant 0 : i32
        %parallel_loop3A_328 = tpu.memref_slice %arg12[%scan3A_45, %parallel_loop3A_326, %parallel_loop3A_327] : memref<2x384x128xf32, #tpu.memory_space<vmem>> -> memref<1x384x128xf32, #tpu.memory_space<vmem>>
        %parallel_loop3A_329 = tpu.memref_squeeze %parallel_loop3A_328 : memref<1x384x128xf32, #tpu.memory_space<vmem>> -> memref<384x128xf32, #tpu.memory_space<vmem>>
        %parallel_loop3A_330 = arith.index_cast %parallel_loop3A_263 : i32 to index
        %parallel_loop3A_331 = arith.constant 96 : index
        %parallel_loop3A_332 = tpu.vector_load %parallel_loop3A_329[%parallel_loop3A_330, %parallel_loop3A_331] {strides = array<i32>} : memref<384x128xf32, #tpu.memory_space<vmem>>, vector<1x16xf32>,
        %parallel_loop3A_333 = vector.shape_cast %parallel_loop3A_332 : vector<1x16xf32> to vector<16xf32>
        %parallel_loop3A_334 = arith.addf %parallel_loop3A_270, %parallel_loop3A_333 : vector<16xf32>
        %parallel_loop3A_335 = arith.constant 0 : i32
        %parallel_loop3A_336 = arith.constant 0 : i32
        %parallel_loop3A_337 = tpu.memref_slice %arg12[%scan3A_45, %parallel_loop3A_335, %parallel_loop3A_336] : memref<2x384x128xf32, #tpu.memory_space<vmem>> -> memref<1x384x128xf32, #tpu.memory_space<vmem>>
        %parallel_loop3A_338 = tpu.memref_squeeze %parallel_loop3A_337 : memref<1x384x128xf32, #tpu.memory_space<vmem>> -> memref<384x128xf32, #tpu.memory_space<vmem>>
        %parallel_loop3A_339 = arith.index_cast %parallel_loop3A_263 : i32 to index
        %parallel_loop3A_340 = arith.constant 112 : index
        %parallel_loop3A_341 = tpu.vector_load %parallel_loop3A_338[%parallel_loop3A_339, %parallel_loop3A_340] {strides = array<i32>} : memref<384x128xf32, #tpu.memory_space<vmem>>, vector<1x16xf32>,
        %parallel_loop3A_342 = vector.shape_cast %parallel_loop3A_341 : vector<1x16xf32> to vector<16xf32>
        %parallel_loop3A_343 = arith.addf %parallel_loop3A_271, %parallel_loop3A_342 : vector<16xf32>
        scf.yield %parallel_loop3A_280, %parallel_loop3A_289, %parallel_loop3A_298, %parallel_loop3A_307, %parallel_loop3A_316, %parallel_loop3A_325, %parallel_loop3A_334, %parallel_loop3A_343 : vector<16xf32>, vector<16xf32>, vector<16xf32>, vector<16xf32>, vector<16xf32>, vector<16xf32>, vector<16xf32>, vector<16xf32>
      } {sc.loop_unroll_factor = 4 : i64, sc.parallel_access}
      %mul3A_199 = arith.constant 7.812500e-03 : f32
      %mul3A_200 = vector.broadcast %mul3A_199 : f32 to vector<16xf32>
      %mul3A_201 = arith.mulf %parallel_loop3A_198#0, %mul3A_200 : vector<16xf32>
      %swap3A_202 = arith.index_cast %add3A_157 : i32 to index
      %swap3A_203 = arith.constant 0 : index
      %swap3A_204 = tpu.vector_load %arg13[%swap3A_202, %swap3A_203] {strides = array<i32>} : memref<50x128xf32, #tpu.memory_space<vmem>>, vector<1x16xf32>,
      %swap3A_205 = vector.shape_cast %swap3A_204 : vector<1x16xf32> to vector<16xf32>
      %swap3A_206 = vector.shape_cast %mul3A_201 : vector<16xf32> to vector<1x16xf32>
      tpu.vector_store %arg13[%swap3A_202, %swap3A_203], %swap3A_206 {strides = array<i32>} : memref<50x128xf32, #tpu.memory_space<vmem>>, vector<1x16xf32>,
      %mul3A_207 = arith.constant 7.812500e-03 : f32
      %mul3A_208 = vector.broadcast %mul3A_207 : f32 to vector<16xf32>
      %mul3A_209 = arith.mulf %parallel_loop3A_198#1, %mul3A_208 : vector<16xf32>
      %swap3A_210 = arith.index_cast %add3A_157 : i32 to index
      %swap3A_211 = arith.constant 16 : index
      %swap3A_212 = tpu.vector_load %arg13[%swap3A_210, %swap3A_211] {strides = array<i32>} : memref<50x128xf32, #tpu.memory_space<vmem>>, vector<1x16xf32>,
      %swap3A_213 = vector.shape_cast %swap3A_212 : vector<1x16xf32> to vector<16xf32>
      %swap3A_214 = vector.shape_cast %mul3A_209 : vector<16xf32> to vector<1x16xf32>
      tpu.vector_store %arg13[%swap3A_210, %swap3A_211], %swap3A_214 {strides = array<i32>} : memref<50x128xf32, #tpu.memory_space<vmem>>, vector<1x16xf32>,
      %mul3A_215 = arith.constant 7.812500e-03 : f32
      %mul3A_216 = vector.broadcast %mul3A_215 : f32 to vector<16xf32>
      %mul3A_217 = arith.mulf %parallel_loop3A_198#2, %mul3A_216 : vector<16xf32>
      %swap3A_218 = arith.index_cast %add3A_157 : i32 to index
      %swap3A_219 = arith.constant 32 : index
      %swap3A_220 = tpu.vector_load %arg13[%swap3A_218, %swap3A_219] {strides = array<i32>} : memref<50x128xf32, #tpu.memory_space<vmem>>, vector<1x16xf32>,
      %swap3A_221 = vector.shape_cast %swap3A_220 : vector<1x16xf32> to vector<16xf32>
      %swap3A_222 = vector.shape_cast %mul3A_217 : vector<16xf32> to vector<1x16xf32>
      tpu.vector_store %arg13[%swap3A_218, %swap3A_219], %swap3A_222 {strides = array<i32>} : memref<50x128xf32, #tpu.memory_space<vmem>>, vector<1x16xf32>,
      %mul3A_223 = arith.constant 7.812500e-03 : f32
      %mul3A_224 = vector.broadcast %mul3A_223 : f32 to vector<16xf32>
      %mul3A_225 = arith.mulf %parallel_loop3A_198#3, %mul3A_224 : vector<16xf32>
      %swap3A_226 = arith.index_cast %add3A_157 : i32 to index
      %swap3A_227 = arith.constant 48 : index
      %swap3A_228 = tpu.vector_load %arg13[%swap3A_226, %swap3A_227] {strides = array<i32>} : memref<50x128xf32, #tpu.memory_space<vmem>>, vector<1x16xf32>,
      %swap3A_229 = vector.shape_cast %swap3A_228 : vector<1x16xf32> to vector<16xf32>
      %swap3A_230 = vector.shape_cast %mul3A_225 : vector<16xf32> to vector<1x16xf32>
      tpu.vector_store %arg13[%swap3A_226, %swap3A_227], %swap3A_230 {strides = array<i32>} : memref<50x128xf32, #tpu.memory_space<vmem>>, vector<1x16xf32>,
      %mul3A_231 = arith.constant 7.812500e-03 : f32
      %mul3A_232 = vector.broadcast %mul3A_231 : f32 to vector<16xf32>
      %mul3A_233 = arith.mulf %parallel_loop3A_198#4, %mul3A_232 : vector<16xf32>
      %swap3A_234 = arith.index_cast %add3A_157 : i32 to index
      %swap3A_235 = arith.constant 64 : index
      %swap3A_236 = tpu.vector_load %arg13[%swap3A_234, %swap3A_235] {strides = array<i32>} : memref<50x128xf32, #tpu.memory_space<vmem>>, vector<1x16xf32>,
      %swap3A_237 = vector.shape_cast %swap3A_236 : vector<1x16xf32> to vector<16xf32>
      %swap3A_238 = vector.shape_cast %mul3A_233 : vector<16xf32> to vector<1x16xf32>
      tpu.vector_store %arg13[%swap3A_234, %swap3A_235], %swap3A_238 {strides = array<i32>} : memref<50x128xf32, #tpu.memory_space<vmem>>, vector<1x16xf32>,
      %mul3A_239 = arith.constant 7.812500e-03 : f32
      %mul3A_240 = vector.broadcast %mul3A_239 : f32 to vector<16xf32>
      %mul3A_241 = arith.mulf %parallel_loop3A_198#5, %mul3A_240 : vector<16xf32>
      %swap3A_242 = arith.index_cast %add3A_157 : i32 to index
      %swap3A_243 = arith.constant 80 : index
      %swap3A_244 = tpu.vector_load %arg13[%swap3A_242, %swap3A_243] {strides = array<i32>} : memref<50x128xf32, #tpu.memory_space<vmem>>, vector<1x16xf32>,
      %swap3A_245 = vector.shape_cast %swap3A_244 : vector<1x16xf32> to vector<16xf32>
      %swap3A_246 = vector.shape_cast %mul3A_241 : vector<16xf32> to vector<1x16xf32>
      tpu.vector_store %arg13[%swap3A_242, %swap3A_243], %swap3A_246 {strides = array<i32>} : memref<50x128xf32, #tpu.memory_space<vmem>>, vector<1x16xf32>,
      %mul3A_247 = arith.constant 7.812500e-03 : f32
      %mul3A_248 = vector.broadcast %mul3A_247 : f32 to vector<16xf32>
      %mul3A_249 = arith.mulf %parallel_loop3A_198#6, %mul3A_248 : vector<16xf32>
      %swap3A_250 = arith.index_cast %add3A_157 : i32 to index
      %swap3A_251 = arith.constant 96 : index
      %swap3A_252 = tpu.vector_load %arg13[%swap3A_250, %swap3A_251] {strides = array<i32>} : memref<50x128xf32, #tpu.memory_space<vmem>>, vector<1x16xf32>,
      %swap3A_253 = vector.shape_cast %swap3A_252 : vector<1x16xf32> to vector<16xf32>
      %swap3A_254 = vector.shape_cast %mul3A_249 : vector<16xf32> to vector<1x16xf32>
      tpu.vector_store %arg13[%swap3A_250, %swap3A_251], %swap3A_254 {strides = array<i32>} : memref<50x128xf32, #tpu.memory_space<vmem>>, vector<1x16xf32>,
      %mul3A_255 = arith.constant 7.812500e-03 : f32
      %mul3A_256 = vector.broadcast %mul3A_255 : f32 to vector<16xf32>
      %mul3A_257 = arith.mulf %parallel_loop3A_198#7, %mul3A_256 : vector<16xf32>
      %swap3A_258 = arith.index_cast %add3A_157 : i32 to index
      %swap3A_259 = arith.constant 112 : index
      %swap3A_260 = tpu.vector_load %arg13[%swap3A_258, %swap3A_259] {strides = array<i32>} : memref<50x128xf32, #tpu.memory_space<vmem>>, vector<1x16xf32>,
      %swap3A_261 = vector.shape_cast %swap3A_260 : vector<1x16xf32> to vector<16xf32>
      %swap3A_262 = vector.shape_cast %mul3A_257 : vector<16xf32> to vector<1x16xf32>
      tpu.vector_store %arg13[%swap3A_258, %swap3A_259], %swap3A_262 {strides = array<i32>} : memref<50x128xf32, #tpu.memory_space<vmem>>, vector<1x16xf32>,
    }
    %scan3A_50 = arith.constant 25 : i32
    "tpu.region"() ({
      %run_scoped3A = tpu.sem_alloc : memref<!tpu.dma_semaphore, #tpu.memory_space<semaphore_mem>>
      %dma_start3A_51 = arith.constant 0 : i32
      %dma_start3A_52 = arith.constant 0 : i32
      %dma_start3A_53 = tpu.memref_slice %arg8[%add3A, %dma_start3A_51, %dma_start3A_52] : memref<32x50x128xf32, #tpu.memory_space<hbm>> -> memref<1x50x128xf32, #tpu.memory_space<hbm>>
      %dma_start3A_54 = tpu.memref_squeeze %dma_start3A_53 : memref<1x50x128xf32, #tpu.memory_space<hbm>> -> memref<50x128xf32, #tpu.memory_space<hbm>>
      %dma_start3A_55 = arith.constant 0 : i32
      %dma_start3A_56 = arith.constant 0 : i32
      %dma_start3A_57 = tpu.memref_slice %arg8[%add3A, %dma_start3A_55, %dma_start3A_56] : memref<32x50x128xf32, #tpu.memory_space<hbm>> -> memref<1x50x128xf32, #tpu.memory_space<hbm>>
      %dma_start3A_58 = tpu.memref_squeeze %dma_start3A_57 : memref<1x50x128xf32, #tpu.memory_space<hbm>> -> memref<50x128xf32, #tpu.memory_space<hbm>>
      tpu.enqueue_dma source(%arg13 : memref<50x128xf32, #tpu.memory_space<vmem>>) target(%dma_start3A_58 : memref<50x128xf32, #tpu.memory_space<hbm>>) target_semaphore(%run_scoped3A : memref<!tpu.dma_semaphore, #tpu.memory_space<semaphore_mem>>)
      %dma_wait3A = arith.constant 0 : i32
      %dma_wait3A_59 = arith.constant 0 : i32
      %dma_wait3A_60 = tpu.memref_slice %arg8[%add3A, %dma_wait3A, %dma_wait3A_59] : memref<32x50x128xf32, #tpu.memory_space<hbm>> -> memref<1x50x128xf32, #tpu.memory_space<hbm>>
      %dma_wait3A_61 = tpu.memref_squeeze %dma_wait3A_60 : memref<1x50x128xf32, #tpu.memory_space<hbm>> -> memref<50x128xf32, #tpu.memory_space<hbm>>
      %dma_wait3A_62 = arith.constant 0 : i32
      %dma_wait3A_63 = arith.constant 0 : i32
      %dma_wait3A_64 = tpu.memref_slice %arg8[%add3A, %dma_wait3A_62, %dma_wait3A_63] : memref<32x50x128xf32, #tpu.memory_space<hbm>> -> memref<1x50x128xf32, #tpu.memory_space<hbm>>
      %dma_wait3A_65 = tpu.memref_squeeze %dma_wait3A_64 : memref<1x50x128xf32, #tpu.memory_space<hbm>> -> memref<50x128xf32, #tpu.memory_space<hbm>>
      tpu.wait_dma2 semaphore(%run_scoped3A : memref<!tpu.dma_semaphore, #tpu.memory_space<semaphore_mem>>) src(%arg13 : memref<50x128xf32, #tpu.memory_space<vmem>>) dst(%dma_wait3A_65 : memref<50x128xf32, #tpu.memory_space<hbm>>)
      tpu.yield
    }) : () -> ()
    return
  }
}

</mosaic_0001>

<sc_bundles>
// kernel: _encode.3.cloned.1.call-start
scs
__scs_entry_jumppad:
0x0: {  	(pc) =	sbr.rel $0x88, $3  }
0x1: {  	(tag) =	ssettag $0x0;
	lr =	simm.s32 $0x1  }
0x2: {  	[smem:$0x3F9B] =	sst lr;
	_ =	strace $0xD0000000  }
0x3: {  	_ = 	snop  }
0x4: {  	_ = 	snop  }
0x5: {  	_ = 	snop  }
0x6: {  	_ = 	snop  }
0x7: {  	_ = 	snop  }
__scs_overlays_trampoline_lowered:
0x8: {  	[smem:$0x3FAA] =	sst s0  }
0x9: {  	[smem:$0x3FAB] =	sst s1  }
0xa: {  	[smem:$0x3FAC] =	sst s2  }
0xb: {  	[smem:$0x3FAD] =	sst s3  }
0xc: {  	[smem:$0x3FAE] =	sst s4  }
0xd: {  	[smem:$0x3FAF] =	sst s5  }
0xe: {  	[smem:$0x3FB0] =	sst s6  }
0xf: {  	[smem:$0x3FB1] =	sst s7  }
0x10: {  	[smem:$0x3FB2] =	sst s8  }
0x11: {  	[smem:$0x3FB3] =	sst s9;
	s0 =	simm.s32 @!p0 $0x0  }
0x12: {  	s1 =	sld [smem:$0x3F99];
	s0 =	simm.s32 @p0 $0x1  }
0x13: {  	[smem:$0x3FB4] =	sst s0;
	s0 =	simm.s32 @!p1 $0x0  }
0x14: {  	s2 =	sld [smem:$0x3F98];
	s0 =	simm.s32 @p1 $0x1  }
0x15: {  	[smem:$0x3FB5] =	sst s0;
	s0 =	simm.s32 @!p2 $0x0  }
0x16: {  	s3 =	sld [smem:$0x3FDB];
	s0 =	simm.s32 @p2 $0x1  }
0x17: {  	s4 =	simm.s32 $0x1BF5;
	[smem:$0x3FB7] =	sst s0  }
0x18: {  	s0 =	sld [smem:$0x3F9A];
	_ =	swait.ge [sflag:s4], $0x0  }
0x19: {  	s7 =	sld [smem:$0x3F9B]  }
0x1a: {  	s8 =	sadd.s32 $0xFFFFE003, lr  }
0x1b: {  	s9 =	sadd.s32 $0xFFFFFEF7, lr;
	s5 =	simm.s32 $0xFFFFFFFF;
	p2 =	slt.u32 s8, $0xFFFFF086  }
0x1c: {  	p1 =	slt.u32 s9, $0xF7A;
	s5 =	simm.s32 @!p2 $0x0  }
0x1d: {  	s5 =	simm.s32 @p1 $0x1;
	p0 =	seq.s32 s7, s2  }
0x1e: {  	s7 =	smul.u32 @!p0 $0xF7A, s2;
	p2 =	seq.s32 @!p0 s5, $0x0  }
0x1f: {  	s9 =	smul.u32 $0xF7A, s1;
	s8 =	simm.s32 @!p0 $0x1BF5;
	p2 =	por !p2, p0  }
0x20: {  	[sflag:s8] =	ssyncset.s32 @!p0 $0xFFFFF086;
	s6 =	sadd.s32 @!p0 s3, s7;
	s7 =	simm.s32 @!p0 $0x108  }
0x21: {  	s3 =	sadd.s32 s3, s9;
	s6 =	sadd.s32 @!p0 $0x88, s6;
	s7 =	simm.s32 @p2 $0x1082  }
0x22: {  	[simem:s7], [sflag:s8] =	dma.local @!p0 [hbm:s6], $0xF7A  }
0x23: {  	s9 =	sor.u32 $0xD0000000, s2;
	s6 =	simm.s32 $0x108;
	_ =	swait.ge @!p0 [sflag:s8], $0x0  }
0x24: {  	s3 =	sadd.s32 $0x88, s3;
	s6 =	simm.s32 @!p1 $0x1082;
	[sflag:s4] =	ssyncset.s32 $0xFFFFF086  }
0x25: {  	[simem:s6], [sflag:s4] =	dma.local [hbm:s3], $0xF7A  }
0x26: {  	[smem:$0x3F9B] =	sst s1;
	(tag) =	ssettag s2;
	_ =	strace s9  }
0x27: {  	s1 =	sld [smem:$0x3FAB]  }
0x28: {  	s2 =	sld [smem:$0x3FAC]  }
0x29: {  	s4 =	sld [smem:$0x3FAE]  }
0x2a: {  	p0 =	seq.s32 s5, $0x0;
	s5 =	sld [smem:$0x3FAF]  }
0x2b: {  	s6 =	sld [smem:$0x3FB0]  }
0x2c: {  	s7 =	sld [smem:$0x3FB1]  }
0x2d: {  	s3 =	simm.s32 $0x108;
	s8 =	sld [smem:$0x3FB2]  }
0x2e: {  	s3 =	simm.s32 @!p0 $0x1082;
	s9 =	sld [smem:$0x3FB3]  }
0x2f: {  	lr =	sadd.s32 s0, s3;
	s0 =	sld [smem:$0x3FAA]  }
0x30: {  	s3 =	sld [smem:$0x3FAD]  }
0x31: {  	[smem:$0x3FB6] =	sst s10  }
0x32: {  	s10 =	sld [smem:$0x3FB4];
	_ =	sdelay $0x3  }
0x33: {  	p0 =	seq.s32 s10, $0x1;
	s10 =	sld [smem:$0x3FB6];
	_ =	sdelay $0x3  }
0x34: {  	[smem:$0x3FB6] =	sst s10  }
0x35: {  	s10 =	sld [smem:$0x3FB5];
	_ =	sdelay $0x3  }
0x36: {  	p1 =	seq.s32 s10, $0x1;
	s10 =	sld [smem:$0x3FB6];
	_ =	sdelay $0x3  }
0x37: {  	[smem:$0x3FB6] =	sst s10  }
0x38: {  	s10 =	sld [smem:$0x3FB7]  }
0x39: {  	_ = 	snop;
	(pc) =	sbr.ind lr, $3  }
0x3a: {  	_ = 	snop  }
0x3b: {  	_ = 	snop  }
0x3c: {  	p2 =	seq.s32 s10, $0x1;
	s10 =	sld [smem:$0x3FB6]  }
0x3d: {  	_ =	shalt  }
0x3e: {  	_ =	shalt  }
0x3f: {  	_ =	shalt  }
0x40: {  	_ =	shalt  }
0x41: {  	_ =	shalt  }
0x42: {  	_ =	shalt  }
0x43: {  	_ =	shalt  }
0x44: {  	_ =	shalt  }
0x45: {  	_ =	shalt  }
0x46: {  	_ =	shalt  }
0x47: {  	_ =	shalt  }
0x48: {  	_ =	shalt  }
0x49: {  	_ =	shalt  }
0x4a: {  	_ =	shalt  }
0x4b: {  	_ =	shalt  }
0x4c: {  	_ =	shalt  }
0x4d: {  	_ =	shalt  }
0x4e: {  	_ =	shalt  }
0x4f: {  	_ =	shalt  }
0x50: {  	_ =	shalt  }
0x51: {  	_ =	shalt  }
0x52: {  	_ =	shalt  }
0x53: {  	_ =	shalt  }
0x54: {  	_ =	shalt  }
0x55: {  	_ =	shalt  }
0x56: {  	_ =	shalt  }
0x57: {  	_ =	shalt  }
0x58: {  	_ =	shalt  }
0x59: {  	_ =	shalt  }
0x5a: {  	_ =	shalt  }
0x5b: {  	_ =	shalt  }
0x5c: {  	_ =	shalt  }
0x5d: {  	_ =	shalt  }
0x5e: {  	_ =	shalt  }
0x5f: {  	_ =	shalt  }
0x60: {  	_ =	shalt  }
0x61: {  	_ =	shalt  }
0x62: {  	_ =	shalt  }
0x63: {  	_ =	shalt  }
0x64: {  	_ =	shalt  }
0x65: {  	_ =	shalt  }
0x66: {  	_ =	shalt  }
0x67: {  	_ =	shalt  }
0x68: {  	_ =	shalt  }
0x69: {  	_ =	shalt  }
0x6a: {  	_ =	shalt  }
0x6b: {  	_ =	shalt  }
0x6c: {  	_ =	shalt  }
0x6d: {  	_ =	shalt  }
0x6e: {  	_ =	shalt  }
0x6f: {  	_ =	shalt  }
0x70: {  	_ =	shalt  }
0x71: {  	_ =	shalt  }
0x72: {  	_ =	shalt  }
0x73: {  	_ =	shalt  }
0x74: {  	_ =	shalt  }
0x75: {  	_ =	shalt  }
0x76: {  	_ =	shalt  }
0x77: {  	_ =	shalt  }
0x78: {  	_ =	shalt  }
0x79: {  	_ =	shalt  }
0x7a: {  	_ =	shalt  }
0x7b: {  	_ =	shalt  }
0x7c: {  	_ =	shalt  }
0x7d: {  	_ =	shalt  }
0x7e: {  	_ =	shalt  }
0x7f: {  	_ =	shalt  }
0x80: {  	_ =	shalt  }
0x81: {  	_ =	shalt  }
0x82: {  	_ =	shalt  }
0x83: {  	_ =	shalt  }
0x84: {  	_ =	shalt  }
0x85: {  	_ =	shalt  }
0x86: {  	_ =	shalt  }
0x87: {  	_ =	shalt  }
.Lfunc_end0:
.L_simem_size_0:
called_computation_lowered:
.L_overlay_start_0:
0x88: {  	s2 =	sld [smem:$0x3FD9]  }
0x89: {  	s3 =	sld [smem:$0x3FFE];
	_ =	sdelay $0x1  }
0x8a: {  	s1 =	srdreg.scid  }
0x8b: {  	s0 =	sand.u32 $0x1, s1  }
0x8c: {  	s17 =	sshll.u32 s0, $0xA;
	s2 =	sadd.s32 s3, s2  }
0x8d: {  	s2 =	sadd.s32 s2, s17  }
0x8e: {  	[smem:$0x3FC2] =	sst s2  }
0x8f: {  	_ = 	snop  }
0x90: {  	s2 =	sld [smem:$0x3FC6]  }
0x91: {  	s18 =	sld [smem:$0x3FC5]  }
0x92: {  	s4 =	sld [smem:$0x3FC4];
	(tm) =	ssettm $0x1  }
0x93: {  	s5 =	sld [smem:$0x3FFB];
	_ =	sdelay $0x3  }
0x94: {  	_ =	strace s5  }
0x95: {  	s5 =	sld [smem:$0x3FFC];
	_ =	sdelay $0x3  }
0x96: {  	_ =	strace s5  }
0x97: {  	s5 =	sld [smem:$0x3FFD];
	_ =	sdelay $0x3  }
0x98: {  	_ =	strace s5  }
0x99: {  	_ =	strace $0x8FFFFFFF  }
0x9a: {  	s19 =	sld [smem:$0x3FDB];
	_ =	sdelay $0x1  }
0x9b: {  	s6 =	simm.s32 $_scs_section_size  }
0x9c: {  	s7 =	simm.s32 $_size__tile_overlayer_lowered;
	s8 =	simm.s32 $_tile_overlayer_lowered  }
0x9d: {  	s22 =	simm.s32 $0x1BFF;
	s21 =	sshll.u32 s8, $0x1;
	s5 =	sadd.s32 s6, s19  }
0x9e: {  	s9 =	simm.s32 $0x0;
	s20 =	sshll.u32 s7, $0x1;
	s7 =	sadd.s32 s21, s5  }
0x9f: {  	[timem:s9], [sflag:s22] =	dma.local [hbm:s7], s20  }
0xa0: {  	_ =	swait.ge [sflag:s22], s20  }
0xa1: {  	s6 =	ssub.s32 $0x0, s20;
	[sflag:s22] =	ssyncset.done $0x0  }
0xa2: {  	[sflag:s22] =	ssyncadd.s32 s6;
	_ =	sdelay $0x1  }
0xa3: {  	s23 =	simm.s32 $0x1B8B  }
0xa4: {  	_ =	swait.ge [sflag:s23], $0x1  }
0xa5: {  	[sflag:s23] =	ssyncset.done $0x0  }
0xa6: {  	s25 =	simm.s32 $0x1B8E;
	s24 =	sld [smem:$0x3FFE];
	[sflag:s23] =	ssyncadd.s32 $0xFFFFFFFF  }
0xa7: {  	s26 =	simm.s32 $execute0_lowered;
	[smem:$0x3FD2] =	sst s25  }
0xa8: {  	s7 =	sshll.u32 s26, $0x1;
	_ =	strace $0x80000046;
	[dreg:$0x1] =	wrdreg $0xFFFFFFFF  }
0xa9: {  	s28 =	simm.s32 $_size_execute0_lowered;
	s5 =	sadd.s32 s5, s7;
	[dreg:$0x0] =	wrdreg $0x0  }
0xaa: {  	s7 =	sshll.u32 s28, $0x1;
	[dreg:$0x2] =	wrdreg s5  }
0xab: {  	[dreg:$0x3] =	wrdreg s7  }
0xac: {  	[dreg:$0x4] =	wrdreg $0xC0  }
0xad: {  	_ =	task [dreg:s9], $0x5FFFF  }
0xae: {  	[dreg:$0x1] =	wrdreg $0xFFFFFFFF  }
0xaf: {  	[dreg:$0x0] =	wrdreg $0x60  }
0xb0: {  	[dreg:$0x2] =	wrdreg s24  }
0xb1: {  	[dreg:$0x3] =	wrdreg s2  }
0xb2: {  	[dreg:$0x4] =	wrdreg s18  }
0xb3: {  	[dreg:$0x5] =	wrdreg s4  }
0xb4: {  	[dreg:$0x6] =	wrdreg $0x9  }
0xb5: {  	_ =	task.clear_ibuf [dreg:s9], $0x7FFFF;
	_ =	strace $0x90000046  }
0xb6: {  	s29 =	simm.s32 $0x9;
	_ =	strace $0x80000048  }
0xb7: {  	_ =	swait.ge [sflag:s29], $0x1  }
0xb8: {  	[sflag:s29] =	ssyncadd.s32 $0xFFFFFFFF  }
0xb9: {  	_ =	strace $0x90000048  }
0xba: {  	_ =	sfence  }
0xbb: {  	s30 =	sld [smem:$0x0];
	_ =	sdelay $0x2  }
0xbc: {  	s31 =	sshll.u32 s1, $0xD;
	s1 =	sshrl.u32 s1, $0x2  }
0xbd: {  	s3 =	sand.u32 $0x4000, s31;
	s1 =	sadd.s32 s1, s30  }
0xbe: {  	s0 =	sor.u32 s3, s0;
	s1 =	sshll.u32 s1, $0x11  }
0xbf: {  	s0 =	sor.u32 s1, s0  }
0xc0: {  	s0 =	sadd.s32 $0x8F2B, s0  }
0xc1: {  	[sflag:s0] =	ssyncadd.remote.s32 $0x1  }
0xc2: {  	_ =	sfence.sel $0xFFFF  }
0xc3: {  	[dreg:$0x0] =	wrdreg $0xFFFFFFFF;
	(pc) =	sbr.abs _section_cstart, $3  }
0xc4: {  	[dreg:$0x1] =	wrdreg $0xFFFFFFFF  }
0xc5: {  	_ =	task.clear_ibuf [dreg:s9], $0x2FFFF;
	_ =	strace $0x9FFFFFFF  }
0xc6: {  	(tm) =	ssettm $0x7FFFFFFF  }
0xc7: {  	_ =	shalt  }
tec
execute0_lowered:
.L_overlay_start_1:
0x0: {  	(tag) =	ssettag $0x1  }
0x1: {  	s6 =	rddreg [dreg:$0x0]  }
0x2: {  	s1 =	rddreg [dreg:$0x1]  }
0x3: {  	s2 =	srdreg.scid;
	s3 =	rddreg [dreg:$0x2]  }
0x4: {  	s0 =	stileid.u32;
	s4 =	rddreg [dreg:$0x3];
	s5 =	simm.s32 $0x0  }
0x5: {  	s11 =	simm.s32 $0x3;
	s12 =	simm.s32 $0x1C00;
	s13 =	simm.s32 $0x3800  }
0x6: {  	s14 =	simm.s32 $0x80;
	s15 =	simm.s32 $0x5400;
	s16 =	simm.s32 $0x9400  }
0x7: {  	s17 =	simm.s32 $0xD400;
	s18 =	simm.s32 $0x1;
	s19 =	simm.s32 $0x11400  }
0x8: {  	s20 =	simm.s32 $0x15400;
	s7 =	sand.u32 $0x1, s2;
	s30 =	sshll.u32 s0, $0x1  }
0x9: {  	s21 =	simm.s32 $0x19400;
	s22 =	simm.s32 $0x2;
	s2 =	sor.u32 s7, s30  }
0xa: {  	s23 =	simm.s32 $0x1D400;
	s7 =	ssub.s32 $0x2, s7;
	s8 =	smul.u32 $0x380, s2  }
0xb: {  	s24 =	simm.s32 $0x0;
	[smem:$0x7FF] =	sst s5;
	s31 =	sshrl.u32 s7, $0x1  }
0xc: {  	s2 =	rddreg [dreg:$0x4];
	s10 =	ssub.s32 s7, s31;
	s9 =	sadd.s32 s8, s6  }
0xd: {  	_ =	strace $0x80000047;
	s10 =	smax.u32 s10, $0x1;
	s6 =	sadd.s32 $0x400, s9  }
0xe: {  	s7 =	sadd.s32 $0x7400, s9;
	s8 =	sadd.s32 $0xE400, s9;
	s9 =	sadd.s32 $0x15400, s9  }
.LBB2_1:
0xf: {  	[tilespmem:s5], [sflag:$0x3] =	stream.linear.gather [hbm4b:s6+s5], $0x1900, $0x38;
	[tilespmem:$0x1F000] =	vst v63  }
0x10: {  	_ =	swait.ge [sflag:s11], $0x1900  }
0x11: {  	[sflag:s11] =	ssyncset.done $0x0  }
0x12: {  	[sflag:s11] =	ssyncadd.s32 $0xFFFFE700  }
0x13: {  	[tilespmem:s12], [sflag:$0x3] =	stream.linear.gather [hbm4b:s7+s5], $0x1900, $0x38;
	[tilespmem:$0x1F000] =	vst v63  }
0x14: {  	_ =	swait.ge [sflag:s11], $0x1900  }
0x15: {  	[sflag:s11] =	ssyncset.done $0x0  }
0x16: {  	[sflag:s11] =	ssyncadd.s32 $0xFFFFE700  }
0x17: {  	[tilespmem:s13], [sflag:$0x3] =	stream.linear.gather [hbm4b:s8+s5], $0x1900, $0x38;
	[tilespmem:$0x1F000] =	vst v63  }
0x18: {  	_ =	swait.ge [sflag:s11], $0x1900  }
0x19: {  	[sflag:s11] =	ssyncset.done $0x0  }
0x1a: {  	[sflag:s11] =	ssyncadd.s32 $0xFFFFE700  }
0x1b: {  	[tilespmem:s15], [sflag:$0x1] =	stream.indirect.gather [hbm4b:s1+s14], $0x80, s5, s14, $0xb8;
	[tilespmem:$0x1F000] =	vst v63  }
0x1c: {  	_ = 	snop  }
0x1d: {  	[tilespmem:s16], [sflag:$0x1] =	stream.indirect.gather [hbm4b:s3+s14], $0x80, s12, s14, $0xb8;
	[tilespmem:$0x1F000] =	vst v63  }
0x1e: {  	s25 =	simm.s32 $0x0  }
0x1f: {  	[tilespmem:s17], [sflag:$0x1] =	stream.indirect.gather [hbm4b:s4+s14], $0x80, s13, s14, $0xb8;
	[tilespmem:$0x1F000] =	vst v63  }
.LBB2_2:
0x20: {  	_ =	swait.ge [sflag:s18], $0xC000  }
0x21: {  	s28 =	sshll.u32 s25, $0x8;
	[sflag:s18] =	ssyncset.done $0x0  }
0x22: {  	s26 =	sor.u32 $0x80, s28;
	[sflag:s18] =	ssyncadd.s32 $0xFFFF4000  }
0x23: {  	[tilespmem:s19], [sflag:$0x2] =	stream.indirect.gather [hbm4b:s1+s14], $0x80, s26, s14, $0xb8;
	[tilespmem:$0x1F000] =	vst v63  }
0x24: {  	s29 =	sadd.s32 $0x1C80, s28  }
0x25: {  	[tilespmem:s20], [sflag:$0x2] =	stream.indirect.gather [hbm4b:s3+s14], $0x80, s29, s14, $0xb8;
	[tilespmem:$0x1F000] =	vst v63  }
0x26: {  	s31 =	simm.s32 $0x0;
	s29 =	sadd.s32 $0x3880, s28  }
0x27: {  	[tilespmem:s21], [sflag:$0x2] =	stream.indirect.gather [hbm4b:s4+s14], $0x80, s29, s14, $0xb8;
	[tilespmem:$0x1F000] =	vst v63  }
0x28: {  	v0 =	vld [tilespmem:s31+$0x5470]  }
0x29: {  	v2 =	vld [tilespmem:s31+$0x5400]  }
0x2a: {  	v3 =	vld [tilespmem:s31+$0x5410]  }
0x2b: {  	v12 =	vld [tilespmem:s31+$0x5420]  }
0x2c: {  	v10 =	vld [tilespmem:s31+$0x5430]  }
0x2d: {  	v1 =	vimm.f32 $0.0e+00;
	v6 =	vimm.f32 $0.0e+00;
	v7 =	vld [tilespmem:s31+$0x5440]  }
0x2e: {  	v9 =	vimm.f32 $0.0e+00;
	v8 =	vld [tilespmem:s31+$0x5450];
	v0 =	vadd.f32 v0, v1;
	v5 =	vadd.f32 v2, v1  }
0x2f: {  	s30 =	simm.s32 $0x400;
	s29 =	simm.s32 $0x80;
	v11 =	vld [tilespmem:s31+$0x5460];
	v4 =	vadd.f32 v3, v1;
	v3 =	vimm.f32 $0.0e+00;
	v2 =	vimm.f32 $0.0e+00  }
.LBB2_3:
0x30: {  	p0 =	sne.s32 s30, $0x2FE00;
	v13 =	vld [tilespmem:s29+$0x5470];
	v1 =	vadd.f32 v12, v1  }
0x31: {  	v14 =	vld [tilespmem:s29+$0x5400];
	v6 =	vadd.f32 v10, v6  }
0x32: {  	v15 =	vld [tilespmem:s29+$0x5410];
	v9 =	vadd.f32 v7, v9  }
.Ltmp0:
0x33: {  	v12 =	vld [tilespmem:s29+$0x5420];
	v3 =	vadd.f32 v8, v3;
	(pc) =	sbr.rel @p0 .LBB2_3-.Ltmp0, $4  }
0x34: {  	v10 =	vld [tilespmem:s29+$0x5430];
	v2 =	vadd.f32 v11, v2  }
0x35: {  	v7 =	vld [tilespmem:s29+$0x5440];
	v0 =	vadd.f32 v13, v0  }
0x36: {  	v5 =	vadd.f32 v14, v5;
	v8 =	vld [tilespmem:s29+$0x5450]  }
0x37: {  	v4 =	vadd.f32 v15, v4;
	v11 =	vld [tilespmem:s29+$0x5460];
	s29 =	sshra.s32 s30, $0x2;
	s30 =	sadd.s32 $0x200, s30  }
0x38: {  	v13 =	vld [tilespmem:s29+$0x5400]  }
0x39: {  	v14 =	vld [tilespmem:s29+$0x5410]  }
0x3a: {  	v15 =	vld [tilespmem:s29+$0x5420]  }
0x3b: {  	v1 =	vadd.f32 v12, v1;
	v12 =	vld [tilespmem:s29+$0x5450]  }
0x3c: {  	v16 =	vld [tilespmem:s29+$0x5430]  }
0x3d: {  	v17 =	vld [tilespmem:s29+$0x5440];
	v7 =	vadd.f32 v7, v9;
	v5 =	vadd.f32 v13, v5  }
0x3e: {  	v9 =	vld [tilespmem:s29+$0x5470];
	v3 =	vadd.f32 v8, v3;
	v4 =	vadd.f32 v14, v4  }
0x3f: {  	v6 =	vadd.f32 v10, v6;
	v10 =	vld [tilespmem:s29+$0x5460];
	v1 =	vadd.f32 v15, v1;
	v5 =	vmul.f32 $7.812500000e-03, v5  }
0x40: {  	v3 =	vadd.f32 v12, v3;
	v4 =	vmul.f32 $7.812500000e-03, v4  }
0x41: {  	v6 =	vadd.f32 v16, v6;
	v1 =	vmul.f32 $7.812500000e-03, v1;
	[tilespmem:s28+$0x1D400] =	vst v5  }
0x42: {  	v2 =	vadd.f32 v11, v2;
	v7 =	vadd.f32 v17, v7;
	v3 =	vmul.f32 $7.812500000e-03, v3;
	[tilespmem:s28+$0x1D410] =	vst v4  }
0x43: {  	v0 =	vadd.f32 v9, v0;
	v4 =	vmul.f32 $7.812500000e-03, v6;
	[tilespmem:s28+$0x1D420] =	vst v1  }
0x44: {  	v2 =	vadd.f32 v10, v2;
	v1 =	vmul.f32 $7.812500000e-03, v7;
	[tilespmem:s28+$0x1D450] =	vst v3  }
0x45: {  	v0 =	vmul.f32 $7.812500000e-03, v0;
	[tilespmem:s28+$0x1D430] =	vst v4  }
0x46: {  	[tilespmem:s28+$0x1D440] =	vst v1;
	v1 =	vmul.f32 $7.812500000e-03, v2  }
0x47: {  	[tilespmem:s28+$0x1D470] =	vst v0  }
0x48: {  	[tilespmem:s28+$0x1D460] =	vst v1  }
0x49: {  	p0 =	seq.s32 s25, $0x18;
	_ =	swait.ge [sflag:s22], $0xC000  }
0x4a: {  	s30 =	simm.s32 @!p0 $0x80;
	[sflag:s22] =	ssyncset.done $0x0  }
0x4b: {  	s31 =	simm.s32 @!p0 $0x5400;
	s29 =	sadd.s32 @!p0 $0x100, s28;
	[sflag:s22] =	ssyncadd.s32 $0xFFFF4000  }
0x4c: {  	[tilespmem:s31], [sflag:$0x1] =	stream.indirect.gather @!p0 [hbm4b:s1+s30], $0x80, s29, s30, $0xb8;
	[tilespmem:$0x1F000] =	vst v63  }
0x4d: {  	s29 =	sadd.s32 @!p0 $0x1D00, s28;
	s31 =	simm.s32 @!p0 $0x9400  }
0x4e: {  	[tilespmem:s31], [sflag:$0x1] =	stream.indirect.gather @!p0 [hbm4b:s3+s30], $0x80, s29, s30, $0xb8;
	[tilespmem:$0x1F000] =	vst v63  }
0x4f: {  	s28 =	sadd.s32 @!p0 $0x3900, s28;
	s29 =	simm.s32 @!p0 $0xD400;
	s31 =	simm.s32 $0x0  }
0x50: {  	[tilespmem:s29], [sflag:$0x1] =	stream.indirect.gather @!p0 [hbm4b:s4+s30], $0x80, s28, s30, $0xb8;
	[tilespmem:$0x1F000] =	vst v63  }
0x51: {  	v0 =	vld [tilespmem:s31+$0x11470]  }
0x52: {  	v2 =	vld [tilespmem:s31+$0x11400]  }
0x53: {  	v3 =	vld [tilespmem:s31+$0x11410]  }
0x54: {  	v12 =	vld [tilespmem:s31+$0x11420]  }
0x55: {  	v10 =	vld [tilespmem:s31+$0x11430]  }
0x56: {  	v9 =	vimm.f32 $0.0e+00;
	v1 =	vimm.f32 $0.0e+00;
	v7 =	vld [tilespmem:s31+$0x11440]  }
0x57: {  	v6 =	vimm.f32 $0.0e+00;
	v8 =	vld [tilespmem:s31+$0x11450];
	v0 =	vadd.f32 v0, v1;
	v5 =	vadd.f32 v2, v1  }
0x58: {  	s28 =	simm.s32 $0x80;
	s29 =	simm.s32 $0x400;
	v11 =	vld [tilespmem:s31+$0x11460];
	v4 =	vadd.f32 v3, v1;
	v3 =	vimm.f32 $0.0e+00;
	v2 =	vimm.f32 $0.0e+00  }
.LBB2_5:
0x59: {  	p0 =	sne.s32 s29, $0x2FE00;
	v13 =	vld [tilespmem:s28+$0x11470];
	v1 =	vadd.f32 v12, v1  }
0x5a: {  	v14 =	vld [tilespmem:s28+$0x11400];
	v6 =	vadd.f32 v10, v6  }
0x5b: {  	v15 =	vld [tilespmem:s28+$0x11410];
	v9 =	vadd.f32 v7, v9  }
.Ltmp1:
0x5c: {  	v12 =	vld [tilespmem:s28+$0x11420];
	v3 =	vadd.f32 v8, v3;
	(pc) =	sbr.rel @p0 .LBB2_5-.Ltmp1, $4  }
0x5d: {  	v10 =	vld [tilespmem:s28+$0x11430];
	v2 =	vadd.f32 v11, v2  }
0x5e: {  	v7 =	vld [tilespmem:s28+$0x11440];
	v0 =	vadd.f32 v13, v0  }
0x5f: {  	v5 =	vadd.f32 v14, v5;
	v8 =	vld [tilespmem:s28+$0x11450]  }
0x60: {  	v4 =	vadd.f32 v15, v4;
	v11 =	vld [tilespmem:s28+$0x11460];
	s28 =	sshra.s32 s29, $0x2;
	s29 =	sadd.s32 $0x200, s29  }
0x61: {  	v13 =	vld [tilespmem:s28+$0x11400]  }
0x62: {  	v14 =	vld [tilespmem:s28+$0x11410]  }
0x63: {  	v15 =	vld [tilespmem:s28+$0x11420]  }
0x64: {  	v16 =	vld [tilespmem:s28+$0x11430]  }
0x65: {  	v17 =	vld [tilespmem:s28+$0x11440]  }
0x66: {  	v1 =	vadd.f32 v12, v1;
	v58 =	vld [tilespmem:s28+$0x11450];
	v5 =	vadd.f32 v13, v5  }
0x67: {  	v60 =	vld [tilespmem:s28+$0x11470];
	v6 =	vadd.f32 v10, v6;
	v4 =	vadd.f32 v14, v4  }
0x68: {  	v59 =	vld [tilespmem:s28+$0x11460];
	v7 =	vadd.f32 v7, v9;
	v1 =	vadd.f32 v15, v1;
	v5 =	vmul.f32 $7.812500000e-03, v5  }
0x69: {  	v3 =	vadd.f32 v8, v3;
	v6 =	vadd.f32 v16, v6;
	v4 =	vmul.f32 $7.812500000e-03, v4  }
0x6a: {  	v7 =	vadd.f32 v17, v7;
	v1 =	vmul.f32 $7.812500000e-03, v1;
	[tilespmem:s26+$0x1D400] =	vst v5  }
0x6b: {  	s25 =	sadd.s32 $0x1, s25;
	v2 =	vadd.f32 v11, v2;
	v3 =	vadd.f32 v58, v3;
	v61 =	vmul.f32 $7.812500000e-03, v6;
	[tilespmem:s26+$0x1D410] =	vst v4  }
0x6c: {  	p0 =	sne.s32 s25, $0x19;
	v0 =	vadd.f32 v60, v0;
	v62 =	vmul.f32 $7.812500000e-03, v7;
	[tilespmem:s26+$0x1D420] =	vst v1  }
.Ltmp2:
0x6d: {  	v2 =	vadd.f32 v59, v2;
	v3 =	vmul.f32 $7.812500000e-03, v3;
	[tilespmem:s26+$0x1D430] =	vst v61;
	(pc) =	sbr.rel @p0 .LBB2_2-.Ltmp2, $4  }
0x6e: {  	v0 =	vmul.f32 $7.812500000e-03, v0;
	[tilespmem:s26+$0x1D440] =	vst v62  }
0x6f: {  	v63 =	vmul.f32 $7.812500000e-03, v2;
	[tilespmem:s26+$0x1D450] =	vst v3  }
0x70: {  	[tilespmem:s26+$0x1D470] =	vst v0  }
0x71: {  	[tilespmem:s26+$0x1D460] =	vst v63  }
0x72: {  	s24 =	sadd.s32 $0x1, s24  }
0x73: {  	p0 =	sne.s32 s24, s10  }
.Ltmp3:
0x74: {  	_ = 	snop;
	(pc) =	sbr.rel @p0 .LBB2_1-.Ltmp3, $4  }
0x75: {  	[hbm4b:s9+s5] =	stream.linear.scatter [tilespmem:s23], [sflag:$0x3], $0x1900, $0x38;
	[tilespmem:$0x1F000] =	vst v63  }
0x76: {  	_ =	swait.ge [sflag:s11], $0x1900  }
0x77: {  	[sflag:s11] =	ssyncset.done $0x0  }
0x78: {  	[sflag:s11] =	ssyncadd.s32 $0xFFFFE700  }
0x79: {  	_ =	sfence.sel $0x180000  }
0x7a: {  	[bflag:$0x0] =	sbarrier.arrive $0xFFFF  }
0x7b: {  	p0 =	sne.s32 s0, $0x0;
	_ =	strace $0x90000047  }
0x7c: {  	s0 =	sadd.s32 @!p0 $0x100000, s2;
	[bflag:$0x2] =	sbarrier.arrive $0xFFFF  }
0x7d: {  	[sflag:s0] =	ssyncadd.tile.s32 @!p0 $0x1;
	_ =	shalt  }
.Lfunc_end2:
_tile_overlayer_lowered:
.L_overlay_start_2:
0x7e: {  	(tag) =	ssettag $0x2  }
0x7f: {  	s0 =	rddreg [dreg:$0x0];
	s2 =	stileid.u32  }
0x80: {  	s1 =	rddreg [dreg:$0x1];
	p0 =	sne.s32 s2, $0x0  }
0x81: {  	s3 =	rddreg [dreg:$0x2];
	[bflag:$0x3] =	sbarrier.arrive $0xFFFF;
	s2 =	simm.s32 @!p0 $0x1C03  }
0x82: {  	[timem:s3], [sflag:s2] =	dma.local @!p0 [hbm:s0], s1  }
0x83: {  	s0 =	simm.s32 @!p0 $0x3  }
0x84: {  	_ =	swait.ge @!p0 [sflag:s0], s1  }
0x85: {  	s1 =	ssub.s32 @!p0 $0x0, s1;
	[sflag:s0] =	ssyncset.done @!p0 $0x0  }
0x86: {  	[sflag:s0] =	ssyncadd.s32 @!p0 s1  }
0x87: {  	[bflag:$0x3] =	sbarrier.arrive $0xFFFF  }
0x88: {  	_ =	shalt  }

</sc_bundles>
